<compile_context>
chip_gen: v7x
topology: tpu7x:2x2x1
jax: 0.10.2.dev20260603
libtpu: 0.0.44.dev20260713+nightly
codegen_flags: <defaults>
</compile_context>

<pallas_src>
import functools

import jax
import jax.numpy as jnp
from jax import lax
from jax.experimental import pallas as pl
from jax.experimental.pallas import tpu as pltpu
from jax.experimental.pallas import tpu_sc as plsc

N_NODES = 10000
N_EDGES = 320000
D_FEAT = 128
N_GRAPHS = 64

NPAD = 10112
SREAD = N_GRAPHS * NPAD
SZ = SREAD
S_ZSLICE = SZ // 16

BATCHN = 10240
BN_SLICE = BATCHN // 16
HSIZE = 10240
CNT_BASE = NPAD
H_SLICE = HSIZE // 16

E_TILE = N_EDGES // 32
LOOP_TILE = BATCHN // 32

_mesh = plsc.VectorSubcoreMesh(core_axis_name="c", subcore_axis_name="s",
                               num_cores=2, num_subcores=16)
_sc_params = pltpu.CompilerParams(needs_layout_passes=False)


def _rsqrt16(d):
    xi = plsc.bitcast(d, jnp.int32)
    yi = jnp.int32(0x5F3759DF) - lax.shift_right_logical(xi, 1)
    y = plsc.bitcast(yi, jnp.float32)
    for _ in range(3):
        y = y * (1.5 - 0.5 * d * y * y)
    return y


_SC_OUT = (
    jax.ShapeDtypeStruct((SREAD,), jnp.float32),
    jax.ShapeDtypeStruct((SREAD,), jnp.float32),
    jax.ShapeDtypeStruct((1, 128), jnp.float32),
)
_SC_SCRATCH = [
        pltpu.VMEM((BATCHN,), jnp.int32),
        pltpu.VMEM((BATCHN,), jnp.float32),
        pltpu.VMEM((E_TILE,), jnp.int32),
        pltpu.VMEM((E_TILE,), jnp.int32),
        pltpu.VMEM((E_TILE,), jnp.int32),
        pltpu.VMEM((E_TILE,), jnp.int32),
        pltpu.VMEM((E_TILE,), jnp.float32),
        pltpu.VMEM((E_TILE,), jnp.float32),
        pltpu.VMEM((BN_SLICE,), jnp.int32),
        pltpu.VMEM((LOOP_TILE,), jnp.int32),
        pltpu.VMEM((LOOP_TILE,), jnp.float32),
        pltpu.VMEM((BN_SLICE,), jnp.float32),
        pltpu.VMEM((BN_SLICE,), jnp.float32),
        pltpu.VMEM((S_ZSLICE // 8,), jnp.float32),
        pltpu.VMEM_SHARED((HSIZE,), jnp.float32),
        pltpu.VMEM_SHARED((BATCHN,), jnp.float32),
        pltpu.VMEM_SHARED((SZ,), jnp.float32),
        pltpu.SemaphoreType.DMA,
        pltpu.SemaphoreType.DMA,
]


def _sc_body(ei_hbm, batch_hbm, s_out0, s_out1, cnt_out,
               batch_v, dinv_v, src_v, dst_v, dst2_v, tbuf, vbuf, ones_v,
               cbuf, sbuf, svbuf, hv, rv, zbuf, h_sh, dinv_sh, s_sh, sem,
               sem2):
    cid = lax.axis_index("c")
    sid = lax.axis_index("s")
    wid = cid * 16 + sid

    zero16 = jnp.zeros((16,), jnp.float32)
    one16 = jnp.ones((16,), jnp.float32)

    def fill_z(i, _):
        zbuf[pl.ds(i * 16, 16)] = zero16
        return 0

    lax.fori_loop(0, (S_ZSLICE // 8) // 16, fill_z, 0)

    def fill_o(i, _):
        ones_v[pl.ds(i * 16, 16)] = one16
        return 0

    lax.fori_loop(0, E_TILE // 16, fill_o, 0)

    pltpu.sync_copy(zbuf.at[pl.ds(0, H_SLICE)],
                    h_sh.at[pl.ds(sid * H_SLICE, H_SLICE)])
    for r in range(8):
        pltpu.sync_copy(
            zbuf, s_sh.at[pl.ds(sid * S_ZSLICE + r * (S_ZSLICE // 8),
                                S_ZSLICE // 8)])
    pltpu.sync_copy(ei_hbm.at[pl.ds(wid * E_TILE, E_TILE)], src_v)
    pltpu.sync_copy(ei_hbm.at[pl.ds(N_EDGES + wid * E_TILE, E_TILE)], dst_v)
    mir = (1 - cid) * 16 + sid
    pltpu.sync_copy(ei_hbm.at[pl.ds(N_EDGES + mir * E_TILE, E_TILE)], dst2_v)
    pltpu.sync_copy(batch_hbm, batch_v)
    plsc.subcore_barrier()

    hist_dma = pltpu.async_copy(ones_v, h_sh.at[dst_v], sem, add=True)
    hist_dma2 = pltpu.async_copy(ones_v, h_sh.at[dst2_v], sem, add=True)

    def cnt_body(m, _):
        cbuf[pl.ds(m * 16, 16)] = (
            batch_v[pl.ds(sid * BN_SLICE + m * 16, 16)] + CNT_BASE)
        return 0

    lax.fori_loop(0, BN_SLICE // 16, cnt_body, 0)
    @pl.when(cid == 0)
    def _():
        pltpu.async_copy(ones_v.at[pl.ds(0, BN_SLICE)], h_sh.at[cbuf], sem2,
                         add=True).wait()

    def tidx_body(i, _):
        off = i * 16
        d16 = dst_v[pl.ds(off, 16)]
        s16 = src_v[pl.ds(off, 16)]
        c16 = plsc.load_gather(batch_v, [d16])
        tbuf[pl.ds(off, 16)] = c16 * NPAD + s16
        return 0

    lax.fori_loop(0, E_TILE // 16, tidx_body, 0)
    hist_dma.wait()
    hist_dma2.wait()
    plsc.subcore_barrier()

    pltpu.sync_copy(h_sh.at[pl.ds(sid * BN_SLICE, BN_SLICE)], hv)

    def dinv_body(m, _):
        d16 = hv[pl.ds(m * 16, 16)] + 1.0
        rv[pl.ds(m * 16, 16)] = _rsqrt16(d16)
        return 0

    lax.fori_loop(0, BN_SLICE // 16, dinv_body, 0)
    pltpu.sync_copy(rv, dinv_sh.at[pl.ds(sid * BN_SLICE, BN_SLICE)])
    plsc.subcore_barrier()
    pltpu.sync_copy(dinv_sh, dinv_v)

    def val_body(i, _):
        off = i * 16
        d16 = dst_v[pl.ds(off, 16)]
        s16 = src_v[pl.ds(off, 16)]
        vd = plsc.load_gather(dinv_v, [d16])
        vs = plsc.load_gather(dinv_v, [s16])
        vbuf[pl.ds(off, 16)] = vd * vs
        return 0

    lax.fori_loop(0, E_TILE // 16, val_body, 0)

    base = wid * LOOP_TILE

    def loop_body(m, _):
        off = m * 16
        n16 = lax.iota(jnp.int32, 16) + (base + off)
        c16 = batch_v[pl.ds(base + off, 16)]
        r16 = dinv_v[pl.ds(base + off, 16)]
        real = n16 < N_NODES
        sbuf[pl.ds(off, 16)] = jnp.where(real, c16 * NPAD + n16, 0)
        svbuf[pl.ds(off, 16)] = jnp.where(real, r16 * r16, 0.0)
        return 0

    lax.fori_loop(0, LOOP_TILE // 16, loop_body, 0)

    edge_dma = pltpu.async_copy(vbuf, s_sh.at[tbuf], sem, add=True)
    pltpu.async_copy(svbuf, s_sh.at[sbuf], sem2, add=True).wait()
    edge_dma.wait()
    plsc.subcore_barrier()

    rd = SREAD // 16

    @pl.when(cid == 0)
    def _():
        pltpu.sync_copy(s_sh.at[pl.ds(sid * rd, rd)],
                        s_out0.at[pl.ds(sid * rd, rd)])

    @pl.when(cid == 1)
    def _():
        pltpu.sync_copy(s_sh.at[pl.ds(sid * rd, rd)],
                        s_out1.at[pl.ds(sid * rd, rd)])
    @pl.when(wid == 0)
    def _():
        pltpu.sync_copy(h_sh.at[pl.ds(CNT_BASE, 128)], cnt_out.at[0])


_sc_kernel = pl.kernel(
    _sc_body,
    out_type=_SC_OUT,
    mesh=_mesh,
    compiler_params=_sc_params,
    scratch_types=_SC_SCRATCH,
)


def _tc_body(p0_ref, p1_ref, cnt_ref, x_ref, w_ref, b_ref, o_ref):
    rows = [
        (p0_ref[pl.ds(g * NPAD, NPAD)]
         + p1_ref[pl.ds(g * NPAD, NPAD)]).reshape(1, NPAD)
        for g in range(N_GRAPHS)
    ]
    s2 = jnp.concatenate(rows, axis=0)
    z = lax.dot_general(s2[:, :N_NODES], x_ref[...],
                        (((1,), (0,)), ((), ())),
                        preferred_element_type=jnp.float32)
    z2 = lax.dot_general(z, w_ref[...], (((1,), (0,)), ((), ())),
                         preferred_element_type=jnp.float32)
    c = cnt_ref[:, :N_GRAPHS]
    eye = (lax.broadcasted_iota(jnp.int32, (N_GRAPHS, N_GRAPHS), 0)
           == lax.broadcasted_iota(jnp.int32, (N_GRAPHS, N_GRAPHS), 1))
    dmat = jnp.where(eye, 1.0 / jnp.maximum(c, 1.0), 0.0)
    mmat = jnp.where(eye & (c > 0.0), 1.0, 0.0)
    bb = jnp.broadcast_to(b_ref[...], (N_GRAPHS, D_FEAT))
    o_ref[...] = (
        lax.dot_general(dmat, z2, (((1,), (0,)), ((), ())),
                        preferred_element_type=jnp.float32)
        + lax.dot_general(mmat, bb, (((1,), (0,)), ((), ())),
                          preferred_element_type=jnp.float32))


_tc_kernel = pl.pallas_call(
    _tc_body,
    out_shape=jax.ShapeDtypeStruct((N_GRAPHS, D_FEAT), jnp.float32),
)


@jax.jit
def kernel(x, edge_index, batch, W, b):
    ei = edge_index.astype(jnp.int32).reshape(2 * N_EDGES)
    batch_pad = jnp.concatenate([
        batch.astype(jnp.int32),
        jnp.full((BATCHN - N_NODES,), N_GRAPHS, jnp.int32),
    ])
    p0, p1, cnt = _sc_kernel(ei, batch_pad)
    return _tc_kernel(p0, p1, cnt, x, W, b.reshape(1, D_FEAT))

# --- scband reference (transcript-rebuilt; emitter-appended) ---
"""Pipeline reference for scband-block-76338748719720 (READ-ONLY COPY).

The authoritative reference and input builder live on the scoring server;
editing this copy changes nothing except your own understanding.
"""

import jax, jax.numpy as jnp
import numpy as np

N_NODES = 10000
N_EDGES = 320000
D_FEAT = 128
N_GRAPHS = 64


def setup_inputs(seed: int = 0) -> dict:
    key = jax.random.key(seed)
    k1, k2, k3, k4 = jax.random.split(key, 4)
    x = jax.random.normal(k1, (N_NODES, D_FEAT), dtype=jnp.float32)
    edge_index = jax.random.randint(k2, (2, N_EDGES), 0, N_NODES, dtype=jnp.int64)
    batch = jnp.sort(jax.random.randint(k3, (N_NODES,), 0, N_GRAPHS, dtype=jnp.int64))
    W = jax.random.normal(k4, (D_FEAT, D_FEAT), dtype=jnp.float32) * 0.05
    b = jnp.zeros((D_FEAT,), dtype=jnp.float32)
    return {"x": x, "edge_index": edge_index, "batch": batch, "W": W, "b": b}


def _gcn_conv(x, edge_index, W, b, num_nodes):
    # PyG GCNConv: add self-loops, symmetric normalization, sum aggregation
    src = edge_index[0]
    dst = edge_index[1]
    loop = jnp.arange(num_nodes, dtype=src.dtype)
    src = jnp.concatenate([src, loop])
    dst = jnp.concatenate([dst, loop])
    deg = jnp.zeros((num_nodes,), dtype=x.dtype).at[dst].add(1.0)
    deg_inv_sqrt = jnp.where(deg > 0, jax.lax.rsqrt(jnp.maximum(deg, 1e-12)), 0.0)
    norm = deg_inv_sqrt[src] * deg_inv_sqrt[dst]
    xw = x @ W
    msgs = jnp.take(xw, src, axis=0) * norm[:, None]
    out = jnp.zeros((num_nodes, xw.shape[1]), dtype=x.dtype).at[dst].add(msgs)
    return out + b


def _global_mean_pool(h, batch, num_graphs):
    sums = jax.ops.segment_sum(h, batch, num_segments=num_graphs)
    counts = jnp.bincount(batch, length=num_graphs).astype(h.dtype)
    counts = jnp.maximum(counts, 1.0)
    return sums / counts[:, None]


def reference(x, edge_index, batch, W, b):
    h = _gcn_conv(x, edge_index, W, b, N_NODES)
    pooled = _global_mean_pool(h, batch, N_GRAPHS)
    # Dropout(0.1) in eval mode is identity
    return pooled

if __name__ == "__main__":
    import jax
    _d = setup_inputs()
    print(jax.jit(kernel)(*tuple(_d.values())))

</pallas_src>

<mosaic_0001>
#map = affine_map<(d0, d1) -> (0)>
#map1 = affine_map<(d0, d1) -> (0, 0)>
module attributes {stable_mosaic.version = 14 : i64} {
  func.func @_sc_body(%arg0: i32, %arg1: i32, %arg2: memref<640000xi32, #tpu.memory_space<hbm>>, %arg3: memref<10240xi32, #tpu.memory_space<hbm>>, %arg4: memref<647168xf32, #tpu.memory_space<hbm>>, %arg5: memref<647168xf32, #tpu.memory_space<hbm>>, %arg6: memref<1x128xf32, #tpu.memory_space<hbm>>, %arg7: memref<10240xi32, #tpu.memory_space<vmem>>, %arg8: memref<10240xf32, #tpu.memory_space<vmem>>, %arg9: memref<10000xi32, #tpu.memory_space<vmem>>, %arg10: memref<10000xi32, #tpu.memory_space<vmem>>, %arg11: memref<10000xi32, #tpu.memory_space<vmem>>, %arg12: memref<10000xi32, #tpu.memory_space<vmem>>, %arg13: memref<10000xf32, #tpu.memory_space<vmem>>, %arg14: memref<10000xf32, #tpu.memory_space<vmem>>, %arg15: memref<640xi32, #tpu.memory_space<vmem>>, %arg16: memref<320xi32, #tpu.memory_space<vmem>>, %arg17: memref<320xf32, #tpu.memory_space<vmem>>, %arg18: memref<640xf32, #tpu.memory_space<vmem>>, %arg19: memref<640xf32, #tpu.memory_space<vmem>>, %arg20: memref<5056xf32, #tpu.memory_space<vmem>>, %arg21: memref<10240xf32, #tpu.memory_space<vmem_shared>>, %arg22: memref<10240xf32, #tpu.memory_space<vmem_shared>>, %arg23: memref<647168xf32, #tpu.memory_space<vmem_shared>>, %arg24: memref<!tpu.dma_semaphore, #tpu.memory_space<semaphore_mem>>, %arg25: memref<!tpu.dma_semaphore, #tpu.memory_space<semaphore_mem>>) attributes {dimension_semantics = [#tpu.dimension_semantics<core_parallel>, #tpu.dimension_semantics<subcore_parallel>], iteration_bounds = array<i64: 2, 16>, scalar_prefetch = 0 : i64, scratch_operands = 19 : i64, tpu.core_type = #tpu.core_type<sc_vector_subcore>, window_params = [{transform_indices = #map}, {transform_indices = #map}, {transform_indices = #map}, {transform_indices = #map}, {transform_indices = #map1}]} {
    %mul3A = arith.constant 16 : i32
    %mul3A_0 = arith.muli %arg0, %mul3A : i32
    %add3A = arith.addi %mul3A_0, %arg1 : i32
    %broadcast_in_dim3A = arith.constant 0.000000e+00 : f32
    %broadcast_in_dim3A_1 = vector.broadcast %broadcast_in_dim3A : f32 to vector<16xf32>
    %broadcast_in_dim3A_2 = arith.constant 1.000000e+00 : f32
    %broadcast_in_dim3A_3 = vector.broadcast %broadcast_in_dim3A_2 : f32 to vector<16xf32>
    %scan3A = arith.constant 0 : i32
    %scan3A_4 = arith.constant 0 : i32
    %scan3A_5 = arith.constant 316 : i32
    %scan3A_6 = arith.addi %scan3A_4, %scan3A_5 : i32
    %scan3A_7 = arith.constant 1 : i32
    %scan3A_8 = scf.for %scan3A_140 = %scan3A_4 to %scan3A_6 step %scan3A_7 iter_args(%scan3A_141 = %scan3A) -> (i32)  : i32 {
      %mul3A_142 = arith.constant 16 : i32
      %mul3A_143 = arith.muli %scan3A_140, %mul3A_142 : i32
      %swap3A = arith.index_cast %mul3A_143 : i32 to index
      %swap3A_144 = tpu.vector_load %arg20[%swap3A] {strides = array<i32>} : memref<5056xf32, #tpu.memory_space<vmem>>, vector<16xf32>,
      tpu.vector_store %arg20[%swap3A], %broadcast_in_dim3A_1 {strides = array<i32>} : memref<5056xf32, #tpu.memory_space<vmem>>, vector<16xf32>,
      %scan3A_145 = arith.constant 0 : i32
      scf.yield %scan3A_145 : i32
    }
    %scan3A_9 = arith.constant 316 : i32
    %scan3A_10 = arith.constant 0 : i32
    %scan3A_11 = arith.constant 0 : i32
    %scan3A_12 = arith.constant 625 : i32
    %scan3A_13 = arith.addi %scan3A_11, %scan3A_12 : i32
    %scan3A_14 = arith.constant 1 : i32
    %scan3A_15 = scf.for %scan3A_140 = %scan3A_11 to %scan3A_13 step %scan3A_14 iter_args(%scan3A_141 = %scan3A_10) -> (i32)  : i32 {
      %mul3A_142 = arith.constant 16 : i32
      %mul3A_143 = arith.muli %scan3A_140, %mul3A_142 : i32
      %swap3A = arith.index_cast %mul3A_143 : i32 to index
      %swap3A_144 = tpu.vector_load %arg14[%swap3A] {strides = array<i32>} : memref<10000xf32, #tpu.memory_space<vmem>>, vector<16xf32>,
      tpu.vector_store %arg14[%swap3A], %broadcast_in_dim3A_3 {strides = array<i32>} : memref<10000xf32, #tpu.memory_space<vmem>>, vector<16xf32>,
      %scan3A_145 = arith.constant 0 : i32
      scf.yield %scan3A_145 : i32
    }
    %scan3A_16 = arith.constant 625 : i32
    %mul3A_17 = arith.constant 640 : i32
    %mul3A_18 = arith.muli %arg1, %mul3A_17 : i32
    "tpu.region"() ({
      %run_scoped3A = tpu.sem_alloc : memref<!tpu.dma_semaphore, #tpu.memory_space<semaphore_mem>>
      %dma_start3A_140 = arith.constant 0 : i32
      %dma_start3A_141 = tpu.memref_slice %arg20[%dma_start3A_140] : memref<5056xf32, #tpu.memory_space<vmem>> -> memref<640xf32, #tpu.memory_space<vmem>>
      %dma_start3A_142 = tpu.memref_slice %arg21[%mul3A_18] : memref<10240xf32, #tpu.memory_space<vmem_shared>> -> memref<640xf32, #tpu.memory_space<vmem_shared>>
      %dma_start3A_143 = tpu.memref_slice %arg21[%mul3A_18] : memref<10240xf32, #tpu.memory_space<vmem_shared>> -> memref<640xf32, #tpu.memory_space<vmem_shared>>
      %dma_start3A_144 = arith.constant 0 : i32
      %dma_start3A_145 = tpu.memref_slice %arg20[%dma_start3A_144] : memref<5056xf32, #tpu.memory_space<vmem>> -> memref<640xf32, #tpu.memory_space<vmem>>
      tpu.enqueue_dma source(%dma_start3A_145 : memref<640xf32, #tpu.memory_space<vmem>>) target(%dma_start3A_143 : memref<640xf32, #tpu.memory_space<vmem_shared>>) target_semaphore(%run_scoped3A : memref<!tpu.dma_semaphore, #tpu.memory_space<semaphore_mem>>)
      %dma_wait3A_146 = arith.constant 0 : i32
      %dma_wait3A_147 = tpu.memref_slice %arg20[%dma_wait3A_146] : memref<5056xf32, #tpu.memory_space<vmem>> -> memref<640xf32, #tpu.memory_space<vmem>>
      %dma_wait3A_148 = tpu.memref_slice %arg21[%mul3A_18] : memref<10240xf32, #tpu.memory_space<vmem_shared>> -> memref<640xf32, #tpu.memory_space<vmem_shared>>
      %dma_wait3A_149 = tpu.memref_slice %arg21[%mul3A_18] : memref<10240xf32, #tpu.memory_space<vmem_shared>> -> memref<640xf32, #tpu.memory_space<vmem_shared>>
      %dma_wait3A_150 = arith.constant 0 : i32
      %dma_wait3A_151 = tpu.memref_slice %arg20[%dma_wait3A_150] : memref<5056xf32, #tpu.memory_space<vmem>> -> memref<640xf32, #tpu.memory_space<vmem>>
      tpu.wait_dma2 semaphore(%run_scoped3A : memref<!tpu.dma_semaphore, #tpu.memory_space<semaphore_mem>>) src(%dma_wait3A_151 : memref<640xf32, #tpu.memory_space<vmem>>) dst(%dma_wait3A_149 : memref<640xf32, #tpu.memory_space<vmem_shared>>)
      tpu.yield
    }) : () -> ()
    %mul3A_19 = arith.constant 40448 : i32
    %mul3A_20 = arith.muli %arg1, %mul3A_19 : i32
    %add3A_21 = arith.constant 0 : i32
    %add3A_22 = arith.addi %mul3A_20, %add3A_21 : i32
    "tpu.region"() ({
      %run_scoped3A = tpu.sem_alloc : memref<!tpu.dma_semaphore, #tpu.memory_space<semaphore_mem>>
      %dma_start3A_140 = tpu.memref_slice %arg23[%add3A_22] : memref<647168xf32, #tpu.memory_space<vmem_shared>> -> memref<5056xf32, #tpu.memory_space<vmem_shared>>
      %dma_start3A_141 = tpu.memref_slice %arg23[%add3A_22] : memref<647168xf32, #tpu.memory_space<vmem_shared>> -> memref<5056xf32, #tpu.memory_space<vmem_shared>>
      tpu.enqueue_dma source(%arg20 : memref<5056xf32, #tpu.memory_space<vmem>>) target(%dma_start3A_141 : memref<5056xf32, #tpu.memory_space<vmem_shared>>) target_semaphore(%run_scoped3A : memref<!tpu.dma_semaphore, #tpu.memory_space<semaphore_mem>>)
      %dma_wait3A_142 = tpu.memref_slice %arg23[%add3A_22] : memref<647168xf32, #tpu.memory_space<vmem_shared>> -> memref<5056xf32, #tpu.memory_space<vmem_shared>>
      %dma_wait3A_143 = tpu.memref_slice %arg23[%add3A_22] : memref<647168xf32, #tpu.memory_space<vmem_shared>> -> memref<5056xf32, #tpu.memory_space<vmem_shared>>
      tpu.wait_dma2 semaphore(%run_scoped3A : memref<!tpu.dma_semaphore, #tpu.memory_space<semaphore_mem>>) src(%arg20 : memref<5056xf32, #tpu.memory_space<vmem>>) dst(%dma_wait3A_143 : memref<5056xf32, #tpu.memory_space<vmem_shared>>)
      tpu.yield
    }) : () -> ()
    %mul3A_23 = arith.constant 40448 : i32
    %mul3A_24 = arith.muli %arg1, %mul3A_23 : i32
    %add3A_25 = arith.constant 5056 : i32
    %add3A_26 = arith.addi %mul3A_24, %add3A_25 : i32
    "tpu.region"() ({
      %run_scoped3A = tpu.sem_alloc : memref<!tpu.dma_semaphore, #tpu.memory_space<semaphore_mem>>
      %dma_start3A_140 = tpu.memref_slice %arg23[%add3A_26] : memref<647168xf32, #tpu.memory_space<vmem_shared>> -> memref<5056xf32, #tpu.memory_space<vmem_shared>>
      %dma_start3A_141 = tpu.memref_slice %arg23[%add3A_26] : memref<647168xf32, #tpu.memory_space<vmem_shared>> -> memref<5056xf32, #tpu.memory_space<vmem_shared>>
      tpu.enqueue_dma source(%arg20 : memref<5056xf32, #tpu.memory_space<vmem>>) target(%dma_start3A_141 : memref<5056xf32, #tpu.memory_space<vmem_shared>>) target_semaphore(%run_scoped3A : memref<!tpu.dma_semaphore, #tpu.memory_space<semaphore_mem>>)
      %dma_wait3A_142 = tpu.memref_slice %arg23[%add3A_26] : memref<647168xf32, #tpu.memory_space<vmem_shared>> -> memref<5056xf32, #tpu.memory_space<vmem_shared>>
      %dma_wait3A_143 = tpu.memref_slice %arg23[%add3A_26] : memref<647168xf32, #tpu.memory_space<vmem_shared>> -> memref<5056xf32, #tpu.memory_space<vmem_shared>>
      tpu.wait_dma2 semaphore(%run_scoped3A : memref<!tpu.dma_semaphore, #tpu.memory_space<semaphore_mem>>) src(%arg20 : memref<5056xf32, #tpu.memory_space<vmem>>) dst(%dma_wait3A_143 : memref<5056xf32, #tpu.memory_space<vmem_shared>>)
      tpu.yield
    }) : () -> ()
    %mul3A_27 = arith.constant 40448 : i32
    %mul3A_28 = arith.muli %arg1, %mul3A_27 : i32
    %add3A_29 = arith.constant 10112 : i32
    %add3A_30 = arith.addi %mul3A_28, %add3A_29 : i32
    "tpu.region"() ({
      %run_scoped3A = tpu.sem_alloc : memref<!tpu.dma_semaphore, #tpu.memory_space<semaphore_mem>>
      %dma_start3A_140 = tpu.memref_slice %arg23[%add3A_30] : memref<647168xf32, #tpu.memory_space<vmem_shared>> -> memref<5056xf32, #tpu.memory_space<vmem_shared>>
      %dma_start3A_141 = tpu.memref_slice %arg23[%add3A_30] : memref<647168xf32, #tpu.memory_space<vmem_shared>> -> memref<5056xf32, #tpu.memory_space<vmem_shared>>
      tpu.enqueue_dma source(%arg20 : memref<5056xf32, #tpu.memory_space<vmem>>) target(%dma_start3A_141 : memref<5056xf32, #tpu.memory_space<vmem_shared>>) target_semaphore(%run_scoped3A : memref<!tpu.dma_semaphore, #tpu.memory_space<semaphore_mem>>)
      %dma_wait3A_142 = tpu.memref_slice %arg23[%add3A_30] : memref<647168xf32, #tpu.memory_space<vmem_shared>> -> memref<5056xf32, #tpu.memory_space<vmem_shared>>
      %dma_wait3A_143 = tpu.memref_slice %arg23[%add3A_30] : memref<647168xf32, #tpu.memory_space<vmem_shared>> -> memref<5056xf32, #tpu.memory_space<vmem_shared>>
      tpu.wait_dma2 semaphore(%run_scoped3A : memref<!tpu.dma_semaphore, #tpu.memory_space<semaphore_mem>>) src(%arg20 : memref<5056xf32, #tpu.memory_space<vmem>>) dst(%dma_wait3A_143 : memref<5056xf32, #tpu.memory_space<vmem_shared>>)
      tpu.yield
    }) : () -> ()
    %mul3A_31 = arith.constant 40448 : i32
    %mul3A_32 = arith.muli %arg1, %mul3A_31 : i32
    %add3A_33 = arith.constant 15168 : i32
    %add3A_34 = arith.addi %mul3A_32, %add3A_33 : i32
    "tpu.region"() ({
      %run_scoped3A = tpu.sem_alloc : memref<!tpu.dma_semaphore, #tpu.memory_space<semaphore_mem>>
      %dma_start3A_140 = tpu.memref_slice %arg23[%add3A_34] : memref<647168xf32, #tpu.memory_space<vmem_shared>> -> memref<5056xf32, #tpu.memory_space<vmem_shared>>
      %dma_start3A_141 = tpu.memref_slice %arg23[%add3A_34] : memref<647168xf32, #tpu.memory_space<vmem_shared>> -> memref<5056xf32, #tpu.memory_space<vmem_shared>>
      tpu.enqueue_dma source(%arg20 : memref<5056xf32, #tpu.memory_space<vmem>>) target(%dma_start3A_141 : memref<5056xf32, #tpu.memory_space<vmem_shared>>) target_semaphore(%run_scoped3A : memref<!tpu.dma_semaphore, #tpu.memory_space<semaphore_mem>>)
      %dma_wait3A_142 = tpu.memref_slice %arg23[%add3A_34] : memref<647168xf32, #tpu.memory_space<vmem_shared>> -> memref<5056xf32, #tpu.memory_space<vmem_shared>>
      %dma_wait3A_143 = tpu.memref_slice %arg23[%add3A_34] : memref<647168xf32, #tpu.memory_space<vmem_shared>> -> memref<5056xf32, #tpu.memory_space<vmem_shared>>
      tpu.wait_dma2 semaphore(%run_scoped3A : memref<!tpu.dma_semaphore, #tpu.memory_space<semaphore_mem>>) src(%arg20 : memref<5056xf32, #tpu.memory_space<vmem>>) dst(%dma_wait3A_143 : memref<5056xf32, #tpu.memory_space<vmem_shared>>)
      tpu.yield
    }) : () -> ()
    %mul3A_35 = arith.constant 40448 : i32
    %mul3A_36 = arith.muli %arg1, %mul3A_35 : i32
    %add3A_37 = arith.constant 20224 : i32
    %add3A_38 = arith.addi %mul3A_36, %add3A_37 : i32
    "tpu.region"() ({
      %run_scoped3A = tpu.sem_alloc : memref<!tpu.dma_semaphore, #tpu.memory_space<semaphore_mem>>
      %dma_start3A_140 = tpu.memref_slice %arg23[%add3A_38] : memref<647168xf32, #tpu.memory_space<vmem_shared>> -> memref<5056xf32, #tpu.memory_space<vmem_shared>>
      %dma_start3A_141 = tpu.memref_slice %arg23[%add3A_38] : memref<647168xf32, #tpu.memory_space<vmem_shared>> -> memref<5056xf32, #tpu.memory_space<vmem_shared>>
      tpu.enqueue_dma source(%arg20 : memref<5056xf32, #tpu.memory_space<vmem>>) target(%dma_start3A_141 : memref<5056xf32, #tpu.memory_space<vmem_shared>>) target_semaphore(%run_scoped3A : memref<!tpu.dma_semaphore, #tpu.memory_space<semaphore_mem>>)
      %dma_wait3A_142 = tpu.memref_slice %arg23[%add3A_38] : memref<647168xf32, #tpu.memory_space<vmem_shared>> -> memref<5056xf32, #tpu.memory_space<vmem_shared>>
      %dma_wait3A_143 = tpu.memref_slice %arg23[%add3A_38] : memref<647168xf32, #tpu.memory_space<vmem_shared>> -> memref<5056xf32, #tpu.memory_space<vmem_shared>>
      tpu.wait_dma2 semaphore(%run_scoped3A : memref<!tpu.dma_semaphore, #tpu.memory_space<semaphore_mem>>) src(%arg20 : memref<5056xf32, #tpu.memory_space<vmem>>) dst(%dma_wait3A_143 : memref<5056xf32, #tpu.memory_space<vmem_shared>>)
      tpu.yield
    }) : () -> ()
    %mul3A_39 = arith.constant 40448 : i32
    %mul3A_40 = arith.muli %arg1, %mul3A_39 : i32
    %add3A_41 = arith.constant 25280 : i32
    %add3A_42 = arith.addi %mul3A_40, %add3A_41 : i32
    "tpu.region"() ({
      %run_scoped3A = tpu.sem_alloc : memref<!tpu.dma_semaphore, #tpu.memory_space<semaphore_mem>>
      %dma_start3A_140 = tpu.memref_slice %arg23[%add3A_42] : memref<647168xf32, #tpu.memory_space<vmem_shared>> -> memref<5056xf32, #tpu.memory_space<vmem_shared>>
      %dma_start3A_141 = tpu.memref_slice %arg23[%add3A_42] : memref<647168xf32, #tpu.memory_space<vmem_shared>> -> memref<5056xf32, #tpu.memory_space<vmem_shared>>
      tpu.enqueue_dma source(%arg20 : memref<5056xf32, #tpu.memory_space<vmem>>) target(%dma_start3A_141 : memref<5056xf32, #tpu.memory_space<vmem_shared>>) target_semaphore(%run_scoped3A : memref<!tpu.dma_semaphore, #tpu.memory_space<semaphore_mem>>)
      %dma_wait3A_142 = tpu.memref_slice %arg23[%add3A_42] : memref<647168xf32, #tpu.memory_space<vmem_shared>> -> memref<5056xf32, #tpu.memory_space<vmem_shared>>
      %dma_wait3A_143 = tpu.memref_slice %arg23[%add3A_42] : memref<647168xf32, #tpu.memory_space<vmem_shared>> -> memref<5056xf32, #tpu.memory_space<vmem_shared>>
      tpu.wait_dma2 semaphore(%run_scoped3A : memref<!tpu.dma_semaphore, #tpu.memory_space<semaphore_mem>>) src(%arg20 : memref<5056xf32, #tpu.memory_space<vmem>>) dst(%dma_wait3A_143 : memref<5056xf32, #tpu.memory_space<vmem_shared>>)
      tpu.yield
    }) : () -> ()
    %mul3A_43 = arith.constant 40448 : i32
    %mul3A_44 = arith.muli %arg1, %mul3A_43 : i32
    %add3A_45 = arith.constant 30336 : i32
    %add3A_46 = arith.addi %mul3A_44, %add3A_45 : i32
    "tpu.region"() ({
      %run_scoped3A = tpu.sem_alloc : memref<!tpu.dma_semaphore, #tpu.memory_space<semaphore_mem>>
      %dma_start3A_140 = tpu.memref_slice %arg23[%add3A_46] : memref<647168xf32, #tpu.memory_space<vmem_shared>> -> memref<5056xf32, #tpu.memory_space<vmem_shared>>
      %dma_start3A_141 = tpu.memref_slice %arg23[%add3A_46] : memref<647168xf32, #tpu.memory_space<vmem_shared>> -> memref<5056xf32, #tpu.memory_space<vmem_shared>>
      tpu.enqueue_dma source(%arg20 : memref<5056xf32, #tpu.memory_space<vmem>>) target(%dma_start3A_141 : memref<5056xf32, #tpu.memory_space<vmem_shared>>) target_semaphore(%run_scoped3A : memref<!tpu.dma_semaphore, #tpu.memory_space<semaphore_mem>>)
      %dma_wait3A_142 = tpu.memref_slice %arg23[%add3A_46] : memref<647168xf32, #tpu.memory_space<vmem_shared>> -> memref<5056xf32, #tpu.memory_space<vmem_shared>>
      %dma_wait3A_143 = tpu.memref_slice %arg23[%add3A_46] : memref<647168xf32, #tpu.memory_space<vmem_shared>> -> memref<5056xf32, #tpu.memory_space<vmem_shared>>
      tpu.wait_dma2 semaphore(%run_scoped3A : memref<!tpu.dma_semaphore, #tpu.memory_space<semaphore_mem>>) src(%arg20 : memref<5056xf32, #tpu.memory_space<vmem>>) dst(%dma_wait3A_143 : memref<5056xf32, #tpu.memory_space<vmem_shared>>)
      tpu.yield
    }) : () -> ()
    %mul3A_47 = arith.constant 40448 : i32
    %mul3A_48 = arith.muli %arg1, %mul3A_47 : i32
    %add3A_49 = arith.constant 35392 : i32
    %add3A_50 = arith.addi %mul3A_48, %add3A_49 : i32
    "tpu.region"() ({
      %run_scoped3A = tpu.sem_alloc : memref<!tpu.dma_semaphore, #tpu.memory_space<semaphore_mem>>
      %dma_start3A_140 = tpu.memref_slice %arg23[%add3A_50] : memref<647168xf32, #tpu.memory_space<vmem_shared>> -> memref<5056xf32, #tpu.memory_space<vmem_shared>>
      %dma_start3A_141 = tpu.memref_slice %arg23[%add3A_50] : memref<647168xf32, #tpu.memory_space<vmem_shared>> -> memref<5056xf32, #tpu.memory_space<vmem_shared>>
      tpu.enqueue_dma source(%arg20 : memref<5056xf32, #tpu.memory_space<vmem>>) target(%dma_start3A_141 : memref<5056xf32, #tpu.memory_space<vmem_shared>>) target_semaphore(%run_scoped3A : memref<!tpu.dma_semaphore, #tpu.memory_space<semaphore_mem>>)
      %dma_wait3A_142 = tpu.memref_slice %arg23[%add3A_50] : memref<647168xf32, #tpu.memory_space<vmem_shared>> -> memref<5056xf32, #tpu.memory_space<vmem_shared>>
      %dma_wait3A_143 = tpu.memref_slice %arg23[%add3A_50] : memref<647168xf32, #tpu.memory_space<vmem_shared>> -> memref<5056xf32, #tpu.memory_space<vmem_shared>>
      tpu.wait_dma2 semaphore(%run_scoped3A : memref<!tpu.dma_semaphore, #tpu.memory_space<semaphore_mem>>) src(%arg20 : memref<5056xf32, #tpu.memory_space<vmem>>) dst(%dma_wait3A_143 : memref<5056xf32, #tpu.memory_space<vmem_shared>>)
      tpu.yield
    }) : () -> ()
    %mul3A_51 = arith.constant 10000 : i32
    %mul3A_52 = arith.muli %add3A, %mul3A_51 : i32
    "tpu.region"() ({
      %run_scoped3A = tpu.sem_alloc : memref<!tpu.dma_semaphore, #tpu.memory_space<semaphore_mem>>
      %dma_start3A_140 = tpu.memref_slice %arg2[%mul3A_52] : memref<640000xi32, #tpu.memory_space<hbm>> -> memref<10000xi32, #tpu.memory_space<hbm>>
      %dma_start3A_141 = tpu.memref_slice %arg2[%mul3A_52] : memref<640000xi32, #tpu.memory_space<hbm>> -> memref<10000xi32, #tpu.memory_space<hbm>>
      tpu.enqueue_dma source(%dma_start3A_141 : memref<10000xi32, #tpu.memory_space<hbm>>) target(%arg9 : memref<10000xi32, #tpu.memory_space<vmem>>) target_semaphore(%run_scoped3A : memref<!tpu.dma_semaphore, #tpu.memory_space<semaphore_mem>>)
      %dma_wait3A_142 = tpu.memref_slice %arg2[%mul3A_52] : memref<640000xi32, #tpu.memory_space<hbm>> -> memref<10000xi32, #tpu.memory_space<hbm>>
      %dma_wait3A_143 = tpu.memref_slice %arg2[%mul3A_52] : memref<640000xi32, #tpu.memory_space<hbm>> -> memref<10000xi32, #tpu.memory_space<hbm>>
      tpu.wait_dma2 semaphore(%run_scoped3A : memref<!tpu.dma_semaphore, #tpu.memory_space<semaphore_mem>>) src(%dma_wait3A_143 : memref<10000xi32, #tpu.memory_space<hbm>>) dst(%arg9 : memref<10000xi32, #tpu.memory_space<vmem>>)
      tpu.yield
    }) : () -> ()
    %mul3A_53 = arith.constant 10000 : i32
    %mul3A_54 = arith.muli %add3A, %mul3A_53 : i32
    %add3A_55 = arith.constant 320000 : i32
    %add3A_56 = arith.addi %add3A_55, %mul3A_54 : i32
    "tpu.region"() ({
      %run_scoped3A = tpu.sem_alloc : memref<!tpu.dma_semaphore, #tpu.memory_space<semaphore_mem>>
      %dma_start3A_140 = tpu.memref_slice %arg2[%add3A_56] : memref<640000xi32, #tpu.memory_space<hbm>> -> memref<10000xi32, #tpu.memory_space<hbm>>
      %dma_start3A_141 = tpu.memref_slice %arg2[%add3A_56] : memref<640000xi32, #tpu.memory_space<hbm>> -> memref<10000xi32, #tpu.memory_space<hbm>>
      tpu.enqueue_dma source(%dma_start3A_141 : memref<10000xi32, #tpu.memory_space<hbm>>) target(%arg10 : memref<10000xi32, #tpu.memory_space<vmem>>) target_semaphore(%run_scoped3A : memref<!tpu.dma_semaphore, #tpu.memory_space<semaphore_mem>>)
      %dma_wait3A_142 = tpu.memref_slice %arg2[%add3A_56] : memref<640000xi32, #tpu.memory_space<hbm>> -> memref<10000xi32, #tpu.memory_space<hbm>>
      %dma_wait3A_143 = tpu.memref_slice %arg2[%add3A_56] : memref<640000xi32, #tpu.memory_space<hbm>> -> memref<10000xi32, #tpu.memory_space<hbm>>
      tpu.wait_dma2 semaphore(%run_scoped3A : memref<!tpu.dma_semaphore, #tpu.memory_space<semaphore_mem>>) src(%dma_wait3A_143 : memref<10000xi32, #tpu.memory_space<hbm>>) dst(%arg10 : memref<10000xi32, #tpu.memory_space<vmem>>)
      tpu.yield
    }) : () -> ()
    %sub3A = arith.constant 1 : i32
    %sub3A_57 = arith.subi %sub3A, %arg0 : i32
    %mul3A_58 = arith.constant 16 : i32
    %mul3A_59 = arith.muli %sub3A_57, %mul3A_58 : i32
    %add3A_60 = arith.addi %mul3A_59, %arg1 : i32
    %mul3A_61 = arith.constant 10000 : i32
    %mul3A_62 = arith.muli %add3A_60, %mul3A_61 : i32
    %add3A_63 = arith.constant 320000 : i32
    %add3A_64 = arith.addi %add3A_63, %mul3A_62 : i32
    "tpu.region"() ({
      %run_scoped3A = tpu.sem_alloc : memref<!tpu.dma_semaphore, #tpu.memory_space<semaphore_mem>>
      %dma_start3A_140 = tpu.memref_slice %arg2[%add3A_64] : memref<640000xi32, #tpu.memory_space<hbm>> -> memref<10000xi32, #tpu.memory_space<hbm>>
      %dma_start3A_141 = tpu.memref_slice %arg2[%add3A_64] : memref<640000xi32, #tpu.memory_space<hbm>> -> memref<10000xi32, #tpu.memory_space<hbm>>
      tpu.enqueue_dma source(%dma_start3A_141 : memref<10000xi32, #tpu.memory_space<hbm>>) target(%arg11 : memref<10000xi32, #tpu.memory_space<vmem>>) target_semaphore(%run_scoped3A : memref<!tpu.dma_semaphore, #tpu.memory_space<semaphore_mem>>)
      %dma_wait3A_142 = tpu.memref_slice %arg2[%add3A_64] : memref<640000xi32, #tpu.memory_space<hbm>> -> memref<10000xi32, #tpu.memory_space<hbm>>
      %dma_wait3A_143 = tpu.memref_slice %arg2[%add3A_64] : memref<640000xi32, #tpu.memory_space<hbm>> -> memref<10000xi32, #tpu.memory_space<hbm>>
      tpu.wait_dma2 semaphore(%run_scoped3A : memref<!tpu.dma_semaphore, #tpu.memory_space<semaphore_mem>>) src(%dma_wait3A_143 : memref<10000xi32, #tpu.memory_space<hbm>>) dst(%arg11 : memref<10000xi32, #tpu.memory_space<vmem>>)
      tpu.yield
    }) : () -> ()
    "tpu.region"() ({
      %run_scoped3A = tpu.sem_alloc : memref<!tpu.dma_semaphore, #tpu.memory_space<semaphore_mem>>
      tpu.enqueue_dma source(%arg3 : memref<10240xi32, #tpu.memory_space<hbm>>) target(%arg7 : memref<10240xi32, #tpu.memory_space<vmem>>) target_semaphore(%run_scoped3A : memref<!tpu.dma_semaphore, #tpu.memory_space<semaphore_mem>>)
      tpu.wait_dma2 semaphore(%run_scoped3A : memref<!tpu.dma_semaphore, #tpu.memory_space<semaphore_mem>>) src(%arg3 : memref<10240xi32, #tpu.memory_space<hbm>>) dst(%arg7 : memref<10240xi32, #tpu.memory_space<vmem>>)
      tpu.yield
    }) : () -> ()
    %barrier3A = arith.constant 0 : index
    tpu.barrier barrier_id(%barrier3A)
    %dma_start3A = arith.constant 0 : i32
    %dma_start3A_65 = tpu.memref_slice %arg21[%dma_start3A] : memref<10240xf32, #tpu.memory_space<vmem_shared>> -> memref<10240xf32, #tpu.memory_space<vmem_shared>>
    tpu.enqueue_indirect_dma source(%arg14 : memref<10000xf32, #tpu.memory_space<vmem>>) target(%dma_start3A_65 : memref<10240xf32, #tpu.memory_space<vmem_shared>>) offsets(%arg10 : memref<10000xi32, #tpu.memory_space<vmem>>) semaphore(%arg24 : memref<!tpu.dma_semaphore, #tpu.memory_space<semaphore_mem>>) {add = true}
    %dma_start3A_66 = arith.constant 0 : i32
    %dma_start3A_67 = tpu.memref_slice %arg21[%dma_start3A_66] : memref<10240xf32, #tpu.memory_space<vmem_shared>> -> memref<10240xf32, #tpu.memory_space<vmem_shared>>
    tpu.enqueue_indirect_dma source(%arg14 : memref<10000xf32, #tpu.memory_space<vmem>>) target(%dma_start3A_67 : memref<10240xf32, #tpu.memory_space<vmem_shared>>) offsets(%arg11 : memref<10000xi32, #tpu.memory_space<vmem>>) semaphore(%arg24 : memref<!tpu.dma_semaphore, #tpu.memory_space<semaphore_mem>>) {add = true}
    %scan3A_68 = arith.constant 0 : i32
    %scan3A_69 = arith.constant 0 : i32
    %scan3A_70 = arith.constant 40 : i32
    %scan3A_71 = arith.addi %scan3A_69, %scan3A_70 : i32
    %scan3A_72 = arith.constant 1 : i32
    %scan3A_73 = scf.for %scan3A_140 = %scan3A_69 to %scan3A_71 step %scan3A_72 iter_args(%scan3A_141 = %scan3A_68) -> (i32)  : i32 {
      %mul3A_142 = arith.constant 640 : i32
      %mul3A_143 = arith.muli %arg1, %mul3A_142 : i32
      %mul3A_144 = arith.constant 16 : i32
      %mul3A_145 = arith.muli %scan3A_140, %mul3A_144 : i32
      %add3A_146 = arith.addi %mul3A_143, %mul3A_145 : i32
      %get3A = arith.index_cast %add3A_146 : i32 to index
      %get3A_147 = tpu.vector_load %arg7[%get3A] {strides = array<i32>} : memref<10240xi32, #tpu.memory_space<vmem>>, vector<16xi32>,
      %add3A_148 = arith.constant 10112 : i32
      %add3A_149 = vector.broadcast %add3A_148 : i32 to vector<16xi32>
      %add3A_150 = arith.addi %get3A_147, %add3A_149 : vector<16xi32>
      %mul3A_151 = arith.constant 16 : i32
      %mul3A_152 = arith.muli %scan3A_140, %mul3A_151 : i32
      %swap3A = arith.index_cast %mul3A_152 : i32 to index
      %swap3A_153 = tpu.vector_load %arg15[%swap3A] {strides = array<i32>} : memref<640xi32, #tpu.memory_space<vmem>>, vector<16xi32>,
      tpu.vector_store %arg15[%swap3A], %add3A_150 {strides = array<i32>} : memref<640xi32, #tpu.memory_space<vmem>>, vector<16xi32>,
      %scan3A_154 = arith.constant 0 : i32
      scf.yield %scan3A_154 : i32
    }
    %scan3A_74 = arith.constant 40 : i32
    %eq3A = arith.constant 0 : i32
    %eq3A_75 = arith.cmpi eq, %arg0, %eq3A : i32
    %convert_element_type3A = arith.extui %eq3A_75 : i1 to i32
    %cond3A = arith.constant 0 : i32
    %cond3A_76 = arith.cmpi ne, %convert_element_type3A, %cond3A : i32
    scf.if %cond3A_76 {
      %dma_start3A_140 = arith.constant 0 : i32
      %dma_start3A_141 = tpu.memref_slice %arg14[%dma_start3A_140] : memref<10000xf32, #tpu.memory_space<vmem>> -> memref<640xf32, #tpu.memory_space<vmem>>
      %dma_start3A_142 = arith.constant 0 : i32
      %dma_start3A_143 = tpu.memref_slice %arg21[%dma_start3A_142] : memref<10240xf32, #tpu.memory_space<vmem_shared>> -> memref<10240xf32, #tpu.memory_space<vmem_shared>>
      tpu.enqueue_indirect_dma source(%dma_start3A_141 : memref<640xf32, #tpu.memory_space<vmem>>) target(%dma_start3A_143 : memref<10240xf32, #tpu.memory_space<vmem_shared>>) offsets(%arg15 : memref<640xi32, #tpu.memory_space<vmem>>) semaphore(%arg25 : memref<!tpu.dma_semaphore, #tpu.memory_space<semaphore_mem>>) {add = true}
      %dma_wait3A_144 = arith.constant 0 : i32
      %dma_wait3A_145 = tpu.memref_slice %arg14[%dma_wait3A_144] : memref<10000xf32, #tpu.memory_space<vmem>> -> memref<640xf32, #tpu.memory_space<vmem>>
      %dma_wait3A_146 = arith.constant 0 : i32
      %dma_wait3A_147 = tpu.memref_slice %arg21[%dma_wait3A_146] : memref<10240xf32, #tpu.memory_space<vmem_shared>> -> memref<10240xf32, #tpu.memory_space<vmem_shared>>
      tpu.wait_indirect_dma semaphore(%arg25 : memref<!tpu.dma_semaphore, #tpu.memory_space<semaphore_mem>>) src(%dma_wait3A_145 : memref<640xf32, #tpu.memory_space<vmem>>) dst(%dma_wait3A_147 : memref<10240xf32, #tpu.memory_space<vmem_shared>>)
    } else {
    }
    %scan3A_77 = arith.constant 0 : i32
    %scan3A_78 = arith.constant 0 : i32
    %scan3A_79 = arith.constant 625 : i32
    %scan3A_80 = arith.addi %scan3A_78, %scan3A_79 : i32
    %scan3A_81 = arith.constant 1 : i32
    %scan3A_82 = scf.for %scan3A_140 = %scan3A_78 to %scan3A_80 step %scan3A_81 iter_args(%scan3A_141 = %scan3A_77) -> (i32)  : i32 {
      %mul3A_142 = arith.constant 16 : i32
      %mul3A_143 = arith.muli %scan3A_140, %mul3A_142 : i32
      %get3A = arith.index_cast %mul3A_143 : i32 to index
      %get3A_144 = tpu.vector_load %arg10[%get3A] {strides = array<i32>} : memref<10000xi32, #tpu.memory_space<vmem>>, vector<16xi32>,
      %get3A_145 = arith.index_cast %mul3A_143 : i32 to index
      %get3A_146 = tpu.vector_load %arg9[%get3A_145] {strides = array<i32>} : memref<10000xi32, #tpu.memory_space<vmem>>, vector<16xi32>,
      %gather3A = tpu.vector_load_idx %arg7[%get3A_144] : memref<10240xi32, #tpu.memory_space<vmem>>[vector<16xi32>], vector<16xi32>,
      %mul3A_147 = arith.constant 10112 : i32
      %mul3A_148 = vector.broadcast %mul3A_147 : i32 to vector<16xi32>
      %mul3A_149 = arith.muli %gather3A, %mul3A_148 : vector<16xi32>
      %add3A_150 = arith.addi %mul3A_149, %get3A_146 : vector<16xi32>
      %swap3A = arith.index_cast %mul3A_143 : i32 to index
      %swap3A_151 = tpu.vector_load %arg12[%swap3A] {strides = array<i32>} : memref<10000xi32, #tpu.memory_space<vmem>>, vector<16xi32>,
      tpu.vector_store %arg12[%swap3A], %add3A_150 {strides = array<i32>} : memref<10000xi32, #tpu.memory_space<vmem>>, vector<16xi32>,
      %scan3A_152 = arith.constant 0 : i32
      scf.yield %scan3A_152 : i32
    }
    %scan3A_83 = arith.constant 625 : i32
    %dma_wait3A = arith.constant 0 : i32
    %dma_wait3A_84 = tpu.memref_slice %arg21[%dma_wait3A] : memref<10240xf32, #tpu.memory_space<vmem_shared>> -> memref<10240xf32, #tpu.memory_space<vmem_shared>>
    tpu.wait_indirect_dma semaphore(%arg24 : memref<!tpu.dma_semaphore, #tpu.memory_space<semaphore_mem>>) src(%arg14 : memref<10000xf32, #tpu.memory_space<vmem>>) dst(%dma_wait3A_84 : memref<10240xf32, #tpu.memory_space<vmem_shared>>)
    %dma_wait3A_85 = arith.constant 0 : i32
    %dma_wait3A_86 = tpu.memref_slice %arg21[%dma_wait3A_85] : memref<10240xf32, #tpu.memory_space<vmem_shared>> -> memref<10240xf32, #tpu.memory_space<vmem_shared>>
    tpu.wait_indirect_dma semaphore(%arg24 : memref<!tpu.dma_semaphore, #tpu.memory_space<semaphore_mem>>) src(%arg14 : memref<10000xf32, #tpu.memory_space<vmem>>) dst(%dma_wait3A_86 : memref<10240xf32, #tpu.memory_space<vmem_shared>>)
    %barrier3A_87 = arith.constant 0 : index
    tpu.barrier barrier_id(%barrier3A_87)
    %mul3A_88 = arith.constant 640 : i32
    %mul3A_89 = arith.muli %arg1, %mul3A_88 : i32
    "tpu.region"() ({
      %run_scoped3A = tpu.sem_alloc : memref<!tpu.dma_semaphore, #tpu.memory_space<semaphore_mem>>
      %dma_start3A_140 = tpu.memref_slice %arg21[%mul3A_89] : memref<10240xf32, #tpu.memory_space<vmem_shared>> -> memref<640xf32, #tpu.memory_space<vmem_shared>>
      %dma_start3A_141 = tpu.memref_slice %arg21[%mul3A_89] : memref<10240xf32, #tpu.memory_space<vmem_shared>> -> memref<640xf32, #tpu.memory_space<vmem_shared>>
      tpu.enqueue_dma source(%dma_start3A_141 : memref<640xf32, #tpu.memory_space<vmem_shared>>) target(%arg18 : memref<640xf32, #tpu.memory_space<vmem>>) target_semaphore(%run_scoped3A : memref<!tpu.dma_semaphore, #tpu.memory_space<semaphore_mem>>)
      %dma_wait3A_142 = tpu.memref_slice %arg21[%mul3A_89] : memref<10240xf32, #tpu.memory_space<vmem_shared>> -> memref<640xf32, #tpu.memory_space<vmem_shared>>
      %dma_wait3A_143 = tpu.memref_slice %arg21[%mul3A_89] : memref<10240xf32, #tpu.memory_space<vmem_shared>> -> memref<640xf32, #tpu.memory_space<vmem_shared>>
      tpu.wait_dma2 semaphore(%run_scoped3A : memref<!tpu.dma_semaphore, #tpu.memory_space<semaphore_mem>>) src(%dma_wait3A_143 : memref<640xf32, #tpu.memory_space<vmem_shared>>) dst(%arg18 : memref<640xf32, #tpu.memory_space<vmem>>)
      tpu.yield
    }) : () -> ()
    %scan3A_90 = arith.constant 0 : i32
    %scan3A_91 = arith.constant 0 : i32
    %scan3A_92 = arith.constant 40 : i32
    %scan3A_93 = arith.addi %scan3A_91, %scan3A_92 : i32
    %scan3A_94 = arith.constant 1 : i32
    %scan3A_95 = scf.for %scan3A_140 = %scan3A_91 to %scan3A_93 step %scan3A_94 iter_args(%scan3A_141 = %scan3A_90) -> (i32)  : i32 {
      %mul3A_142 = arith.constant 16 : i32
      %mul3A_143 = arith.muli %scan3A_140, %mul3A_142 : i32
      %get3A = arith.index_cast %mul3A_143 : i32 to index
      %get3A_144 = tpu.vector_load %arg18[%get3A] {strides = array<i32>} : memref<640xf32, #tpu.memory_space<vmem>>, vector<16xf32>,
      %add3A_145 = arith.constant 1.000000e+00 : f32
      %add3A_146 = vector.broadcast %add3A_145 : f32 to vector<16xf32>
      %add3A_147 = arith.addf %get3A_144, %add3A_146 : vector<16xf32>
      %bitcast3A = vector.bitcast %add3A_147 : vector<16xf32> to vector<16xi32>
      %shift_right_logical3A = arith.constant 1 : i32
      %shift_right_logical3A_148 = vector.broadcast %shift_right_logical3A : i32 to vector<16xi32>
      %shift_right_logical3A_149 = arith.shrui %bitcast3A, %shift_right_logical3A_148 : vector<16xi32>
      %sub3A_150 = arith.constant 1597463007 : i32
      %sub3A_151 = vector.broadcast %sub3A_150 : i32 to vector<16xi32>
      %sub3A_152 = arith.subi %sub3A_151, %shift_right_logical3A_149 : vector<16xi32>
      %bitcast3A_153 = vector.bitcast %sub3A_152 : vector<16xi32> to vector<16xf32>
      %mul3A_154 = arith.constant 5.000000e-01 : f32
      %mul3A_155 = vector.broadcast %mul3A_154 : f32 to vector<16xf32>
      %mul3A_156 = arith.mulf %mul3A_155, %add3A_147 : vector<16xf32>
      %mul3A_157 = arith.mulf %mul3A_156, %bitcast3A_153 : vector<16xf32>
      %mul3A_158 = arith.mulf %mul3A_157, %bitcast3A_153 : vector<16xf32>
      %sub3A_159 = arith.constant 1.500000e+00 : f32
      %sub3A_160 = vector.broadcast %sub3A_159 : f32 to vector<16xf32>
      %sub3A_161 = arith.subf %sub3A_160, %mul3A_158 : vector<16xf32>
      %mul3A_162 = arith.mulf %bitcast3A_153, %sub3A_161 : vector<16xf32>
      %mul3A_163 = arith.constant 5.000000e-01 : f32
      %mul3A_164 = vector.broadcast %mul3A_163 : f32 to vector<16xf32>
      %mul3A_165 = arith.mulf %mul3A_164, %add3A_147 : vector<16xf32>
      %mul3A_166 = arith.mulf %mul3A_165, %mul3A_162 : vector<16xf32>
      %mul3A_167 = arith.mulf %mul3A_166, %mul3A_162 : vector<16xf32>
      %sub3A_168 = arith.constant 1.500000e+00 : f32
      %sub3A_169 = vector.broadcast %sub3A_168 : f32 to vector<16xf32>
      %sub3A_170 = arith.subf %sub3A_169, %mul3A_167 : vector<16xf32>
      %mul3A_171 = arith.mulf %mul3A_162, %sub3A_170 : vector<16xf32>
      %mul3A_172 = arith.constant 5.000000e-01 : f32
      %mul3A_173 = vector.broadcast %mul3A_172 : f32 to vector<16xf32>
      %mul3A_174 = arith.mulf %mul3A_173, %add3A_147 : vector<16xf32>
      %mul3A_175 = arith.mulf %mul3A_174, %mul3A_171 : vector<16xf32>
      %mul3A_176 = arith.mulf %mul3A_175, %mul3A_171 : vector<16xf32>
      %sub3A_177 = arith.constant 1.500000e+00 : f32
      %sub3A_178 = vector.broadcast %sub3A_177 : f32 to vector<16xf32>
      %sub3A_179 = arith.subf %sub3A_178, %mul3A_176 : vector<16xf32>
      %mul3A_180 = arith.mulf %mul3A_171, %sub3A_179 : vector<16xf32>
      %mul3A_181 = arith.constant 16 : i32
      %mul3A_182 = arith.muli %scan3A_140, %mul3A_181 : i32
      %swap3A = arith.index_cast %mul3A_182 : i32 to index
      %swap3A_183 = tpu.vector_load %arg19[%swap3A] {strides = array<i32>} : memref<640xf32, #tpu.memory_space<vmem>>, vector<16xf32>,
      tpu.vector_store %arg19[%swap3A], %mul3A_180 {strides = array<i32>} : memref<640xf32, #tpu.memory_space<vmem>>, vector<16xf32>,
      %scan3A_184 = arith.constant 0 : i32
      scf.yield %scan3A_184 : i32
    }
    %scan3A_96 = arith.constant 40 : i32
    %mul3A_97 = arith.constant 640 : i32
    %mul3A_98 = arith.muli %arg1, %mul3A_97 : i32
    "tpu.region"() ({
      %run_scoped3A = tpu.sem_alloc : memref<!tpu.dma_semaphore, #tpu.memory_space<semaphore_mem>>
      %dma_start3A_140 = tpu.memref_slice %arg22[%mul3A_98] : memref<10240xf32, #tpu.memory_space<vmem_shared>> -> memref<640xf32, #tpu.memory_space<vmem_shared>>
      %dma_start3A_141 = tpu.memref_slice %arg22[%mul3A_98] : memref<10240xf32, #tpu.memory_space<vmem_shared>> -> memref<640xf32, #tpu.memory_space<vmem_shared>>
      tpu.enqueue_dma source(%arg19 : memref<640xf32, #tpu.memory_space<vmem>>) target(%dma_start3A_141 : memref<640xf32, #tpu.memory_space<vmem_shared>>) target_semaphore(%run_scoped3A : memref<!tpu.dma_semaphore, #tpu.memory_space<semaphore_mem>>)
      %dma_wait3A_142 = tpu.memref_slice %arg22[%mul3A_98] : memref<10240xf32, #tpu.memory_space<vmem_shared>> -> memref<640xf32, #tpu.memory_space<vmem_shared>>
      %dma_wait3A_143 = tpu.memref_slice %arg22[%mul3A_98] : memref<10240xf32, #tpu.memory_space<vmem_shared>> -> memref<640xf32, #tpu.memory_space<vmem_shared>>
      tpu.wait_dma2 semaphore(%run_scoped3A : memref<!tpu.dma_semaphore, #tpu.memory_space<semaphore_mem>>) src(%arg19 : memref<640xf32, #tpu.memory_space<vmem>>) dst(%dma_wait3A_143 : memref<640xf32, #tpu.memory_space<vmem_shared>>)
      tpu.yield
    }) : () -> ()
    %barrier3A_99 = arith.constant 0 : index
    tpu.barrier barrier_id(%barrier3A_99)
    "tpu.region"() ({
      %run_scoped3A = tpu.sem_alloc : memref<!tpu.dma_semaphore, #tpu.memory_space<semaphore_mem>>
      tpu.enqueue_dma source(%arg22 : memref<10240xf32, #tpu.memory_space<vmem_shared>>) target(%arg8 : memref<10240xf32, #tpu.memory_space<vmem>>) target_semaphore(%run_scoped3A : memref<!tpu.dma_semaphore, #tpu.memory_space<semaphore_mem>>)
      tpu.wait_dma2 semaphore(%run_scoped3A : memref<!tpu.dma_semaphore, #tpu.memory_space<semaphore_mem>>) src(%arg22 : memref<10240xf32, #tpu.memory_space<vmem_shared>>) dst(%arg8 : memref<10240xf32, #tpu.memory_space<vmem>>)
      tpu.yield
    }) : () -> ()
    %scan3A_100 = arith.constant 0 : i32
    %scan3A_101 = arith.constant 0 : i32
    %scan3A_102 = arith.constant 625 : i32
    %scan3A_103 = arith.addi %scan3A_101, %scan3A_102 : i32
    %scan3A_104 = arith.constant 1 : i32
    %scan3A_105 = scf.for %scan3A_140 = %scan3A_101 to %scan3A_103 step %scan3A_104 iter_args(%scan3A_141 = %scan3A_100) -> (i32)  : i32 {
      %mul3A_142 = arith.constant 16 : i32
      %mul3A_143 = arith.muli %scan3A_140, %mul3A_142 : i32
      %get3A = arith.index_cast %mul3A_143 : i32 to index
      %get3A_144 = tpu.vector_load %arg10[%get3A] {strides = array<i32>} : memref<10000xi32, #tpu.memory_space<vmem>>, vector<16xi32>,
      %get3A_145 = arith.index_cast %mul3A_143 : i32 to index
      %get3A_146 = tpu.vector_load %arg9[%get3A_145] {strides = array<i32>} : memref<10000xi32, #tpu.memory_space<vmem>>, vector<16xi32>,
      %gather3A = tpu.vector_load_idx %arg8[%get3A_144] : memref<10240xf32, #tpu.memory_space<vmem>>[vector<16xi32>], vector<16xf32>,
      %gather3A_147 = tpu.vector_load_idx %arg8[%get3A_146] : memref<10240xf32, #tpu.memory_space<vmem>>[vector<16xi32>], vector<16xf32>,
      %mul3A_148 = arith.mulf %gather3A, %gather3A_147 : vector<16xf32>
      %swap3A = arith.index_cast %mul3A_143 : i32 to index
      %swap3A_149 = tpu.vector_load %arg13[%swap3A] {strides = array<i32>} : memref<10000xf32, #tpu.memory_space<vmem>>, vector<16xf32>,
      tpu.vector_store %arg13[%swap3A], %mul3A_148 {strides = array<i32>} : memref<10000xf32, #tpu.memory_space<vmem>>, vector<16xf32>,
      %scan3A_150 = arith.constant 0 : i32
      scf.yield %scan3A_150 : i32
    }
    %scan3A_106 = arith.constant 625 : i32
    %mul3A_107 = arith.constant 320 : i32
    %mul3A_108 = arith.muli %add3A, %mul3A_107 : i32
    %scan3A_109 = arith.constant 0 : i32
    %scan3A_110 = arith.constant 0 : i32
    %scan3A_111 = arith.constant 20 : i32
    %scan3A_112 = arith.addi %scan3A_110, %scan3A_111 : i32
    %scan3A_113 = arith.constant 1 : i32
    %scan3A_114 = scf.for %scan3A_140 = %scan3A_110 to %scan3A_112 step %scan3A_113 iter_args(%scan3A_141 = %scan3A_109) -> (i32)  : i32 {
      %mul3A_142 = arith.constant 16 : i32
      %mul3A_143 = arith.muli %scan3A_140, %mul3A_142 : i32
      %iota3A = tpu.iota {dimensions = array<i32: 0>} : vector<16xi32>
      %add3A_144 = arith.addi %mul3A_108, %mul3A_143 : i32
      %add3A_145 = vector.broadcast %add3A_144 : i32 to vector<16xi32>
      %add3A_146 = arith.addi %iota3A, %add3A_145 : vector<16xi32>
      %add3A_147 = arith.addi %mul3A_108, %mul3A_143 : i32
      %get3A = arith.index_cast %add3A_147 : i32 to index
      %get3A_148 = tpu.vector_load %arg7[%get3A] {strides = array<i32>} : memref<10240xi32, #tpu.memory_space<vmem>>, vector<16xi32>,
      %add3A_149 = arith.addi %mul3A_108, %mul3A_143 : i32
      %get3A_150 = arith.index_cast %add3A_149 : i32 to index
      %get3A_151 = tpu.vector_load %arg8[%get3A_150] {strides = array<i32>} : memref<10240xf32, #tpu.memory_space<vmem>>, vector<16xf32>,
      %lt3A = arith.constant 10000 : i32
      %lt3A_152 = vector.broadcast %lt3A : i32 to vector<16xi32>
      %lt3A_153 = arith.cmpi slt, %add3A_146, %lt3A_152 : vector<16xi32>
      %mul3A_154 = arith.constant 10112 : i32
      %mul3A_155 = vector.broadcast %mul3A_154 : i32 to vector<16xi32>
      %mul3A_156 = arith.muli %get3A_148, %mul3A_155 : vector<16xi32>
      %add3A_157 = arith.addi %mul3A_156, %add3A_146 : vector<16xi32>
      %jit3A = arith.constant 0 : i32
      %broadcast_in_dim3A_158 = vector.broadcast %jit3A : i32 to vector<16xi32>
      %select_n3A = arith.select %lt3A_153, %add3A_157, %broadcast_in_dim3A_158 : vector<16xi1>, vector<16xi32>
      %swap3A = arith.index_cast %mul3A_143 : i32 to index
      %swap3A_159 = tpu.vector_load %arg16[%swap3A] {strides = array<i32>} : memref<320xi32, #tpu.memory_space<vmem>>, vector<16xi32>,
      tpu.vector_store %arg16[%swap3A], %select_n3A {strides = array<i32>} : memref<320xi32, #tpu.memory_space<vmem>>, vector<16xi32>,
      %mul3A_160 = arith.mulf %get3A_151, %get3A_151 : vector<16xf32>
      %jit3A_161 = arith.constant 0.000000e+00 : f32
      %broadcast_in_dim3A_162 = vector.broadcast %jit3A_161 : f32 to vector<16xf32>
      %select_n3A_163 = arith.select %lt3A_153, %mul3A_160, %broadcast_in_dim3A_162 : vector<16xi1>, vector<16xf32>
      %swap3A_164 = arith.index_cast %mul3A_143 : i32 to index
      %swap3A_165 = tpu.vector_load %arg17[%swap3A_164] {strides = array<i32>} : memref<320xf32, #tpu.memory_space<vmem>>, vector<16xf32>,
      tpu.vector_store %arg17[%swap3A_164], %select_n3A_163 {strides = array<i32>} : memref<320xf32, #tpu.memory_space<vmem>>, vector<16xf32>,
      %scan3A_166 = arith.constant 0 : i32
      scf.yield %scan3A_166 : i32
    }
    %scan3A_115 = arith.constant 20 : i32
    %dma_start3A_116 = arith.constant 0 : i32
    %dma_start3A_117 = tpu.memref_slice %arg23[%dma_start3A_116] : memref<647168xf32, #tpu.memory_space<vmem_shared>> -> memref<647168xf32, #tpu.memory_space<vmem_shared>>
    tpu.enqueue_indirect_dma source(%arg13 : memref<10000xf32, #tpu.memory_space<vmem>>) target(%dma_start3A_117 : memref<647168xf32, #tpu.memory_space<vmem_shared>>) offsets(%arg12 : memref<10000xi32, #tpu.memory_space<vmem>>) semaphore(%arg24 : memref<!tpu.dma_semaphore, #tpu.memory_space<semaphore_mem>>) {add = true}
    %dma_start3A_118 = arith.constant 0 : i32
    %dma_start3A_119 = tpu.memref_slice %arg23[%dma_start3A_118] : memref<647168xf32, #tpu.memory_space<vmem_shared>> -> memref<647168xf32, #tpu.memory_space<vmem_shared>>
    tpu.enqueue_indirect_dma source(%arg17 : memref<320xf32, #tpu.memory_space<vmem>>) target(%dma_start3A_119 : memref<647168xf32, #tpu.memory_space<vmem_shared>>) offsets(%arg16 : memref<320xi32, #tpu.memory_space<vmem>>) semaphore(%arg25 : memref<!tpu.dma_semaphore, #tpu.memory_space<semaphore_mem>>) {add = true}
    %dma_wait3A_120 = arith.constant 0 : i32
    %dma_wait3A_121 = tpu.memref_slice %arg23[%dma_wait3A_120] : memref<647168xf32, #tpu.memory_space<vmem_shared>> -> memref<647168xf32, #tpu.memory_space<vmem_shared>>
    tpu.wait_indirect_dma semaphore(%arg25 : memref<!tpu.dma_semaphore, #tpu.memory_space<semaphore_mem>>) src(%arg17 : memref<320xf32, #tpu.memory_space<vmem>>) dst(%dma_wait3A_121 : memref<647168xf32, #tpu.memory_space<vmem_shared>>)
    %dma_wait3A_122 = arith.constant 0 : i32
    %dma_wait3A_123 = tpu.memref_slice %arg23[%dma_wait3A_122] : memref<647168xf32, #tpu.memory_space<vmem_shared>> -> memref<647168xf32, #tpu.memory_space<vmem_shared>>
    tpu.wait_indirect_dma semaphore(%arg24 : memref<!tpu.dma_semaphore, #tpu.memory_space<semaphore_mem>>) src(%arg13 : memref<10000xf32, #tpu.memory_space<vmem>>) dst(%dma_wait3A_123 : memref<647168xf32, #tpu.memory_space<vmem_shared>>)
    %barrier3A_124 = arith.constant 0 : index
    tpu.barrier barrier_id(%barrier3A_124)
    %eq3A_125 = arith.constant 0 : i32
    %eq3A_126 = arith.cmpi eq, %arg0, %eq3A_125 : i32
    %convert_element_type3A_127 = arith.extui %eq3A_126 : i1 to i32
    %cond3A_128 = arith.constant 0 : i32
    %cond3A_129 = arith.cmpi ne, %convert_element_type3A_127, %cond3A_128 : i32
    scf.if %cond3A_129 {
      %mul3A_140 = arith.constant 40448 : i32
      %mul3A_141 = arith.muli %arg1, %mul3A_140 : i32
      %mul3A_142 = arith.constant 40448 : i32
      %mul3A_143 = arith.muli %arg1, %mul3A_142 : i32
      "tpu.region"() ({
        %run_scoped3A = tpu.sem_alloc : memref<!tpu.dma_semaphore, #tpu.memory_space<semaphore_mem>>
        %dma_start3A_144 = tpu.memref_slice %arg4[%mul3A_143] : memref<647168xf32, #tpu.memory_space<hbm>> -> memref<40448xf32, #tpu.memory_space<hbm>>
        %dma_start3A_145 = tpu.memref_slice %arg23[%mul3A_141] : memref<647168xf32, #tpu.memory_space<vmem_shared>> -> memref<40448xf32, #tpu.memory_space<vmem_shared>>
        tpu.enqueue_dma source(%dma_start3A_145 : memref<40448xf32, #tpu.memory_space<vmem_shared>>) target(%dma_start3A_144 : memref<40448xf32, #tpu.memory_space<hbm>>) target_semaphore(%run_scoped3A : memref<!tpu.dma_semaphore, #tpu.memory_space<semaphore_mem>>)
        %dma_wait3A_146 = tpu.memref_slice %arg4[%mul3A_143] : memref<647168xf32, #tpu.memory_space<hbm>> -> memref<40448xf32, #tpu.memory_space<hbm>>
        %dma_wait3A_147 = tpu.memref_slice %arg23[%mul3A_141] : memref<647168xf32, #tpu.memory_space<vmem_shared>> -> memref<40448xf32, #tpu.memory_space<vmem_shared>>
        tpu.wait_dma2 semaphore(%run_scoped3A : memref<!tpu.dma_semaphore, #tpu.memory_space<semaphore_mem>>) src(%dma_wait3A_147 : memref<40448xf32, #tpu.memory_space<vmem_shared>>) dst(%dma_wait3A_146 : memref<40448xf32, #tpu.memory_space<hbm>>)
        tpu.yield
      }) : () -> ()
    } else {
    }
    %eq3A_130 = arith.constant 1 : i32
    %eq3A_131 = arith.cmpi eq, %arg0, %eq3A_130 : i32
    %convert_element_type3A_132 = arith.extui %eq3A_131 : i1 to i32
    %cond3A_133 = arith.constant 0 : i32
    %cond3A_134 = arith.cmpi ne, %convert_element_type3A_132, %cond3A_133 : i32
    scf.if %cond3A_134 {
      %mul3A_140 = arith.constant 40448 : i32
      %mul3A_141 = arith.muli %arg1, %mul3A_140 : i32
      %mul3A_142 = arith.constant 40448 : i32
      %mul3A_143 = arith.muli %arg1, %mul3A_142 : i32
      "tpu.region"() ({
        %run_scoped3A = tpu.sem_alloc : memref<!tpu.dma_semaphore, #tpu.memory_space<semaphore_mem>>
        %dma_start3A_144 = tpu.memref_slice %arg5[%mul3A_143] : memref<647168xf32, #tpu.memory_space<hbm>> -> memref<40448xf32, #tpu.memory_space<hbm>>
        %dma_start3A_145 = tpu.memref_slice %arg23[%mul3A_141] : memref<647168xf32, #tpu.memory_space<vmem_shared>> -> memref<40448xf32, #tpu.memory_space<vmem_shared>>
        tpu.enqueue_dma source(%dma_start3A_145 : memref<40448xf32, #tpu.memory_space<vmem_shared>>) target(%dma_start3A_144 : memref<40448xf32, #tpu.memory_space<hbm>>) target_semaphore(%run_scoped3A : memref<!tpu.dma_semaphore, #tpu.memory_space<semaphore_mem>>)
        %dma_wait3A_146 = tpu.memref_slice %arg5[%mul3A_143] : memref<647168xf32, #tpu.memory_space<hbm>> -> memref<40448xf32, #tpu.memory_space<hbm>>
        %dma_wait3A_147 = tpu.memref_slice %arg23[%mul3A_141] : memref<647168xf32, #tpu.memory_space<vmem_shared>> -> memref<40448xf32, #tpu.memory_space<vmem_shared>>
        tpu.wait_dma2 semaphore(%run_scoped3A : memref<!tpu.dma_semaphore, #tpu.memory_space<semaphore_mem>>) src(%dma_wait3A_147 : memref<40448xf32, #tpu.memory_space<vmem_shared>>) dst(%dma_wait3A_146 : memref<40448xf32, #tpu.memory_space<hbm>>)
        tpu.yield
      }) : () -> ()
    } else {
    }
    %eq3A_135 = arith.constant 0 : i32
    %eq3A_136 = arith.cmpi eq, %add3A, %eq3A_135 : i32
    %convert_element_type3A_137 = arith.extui %eq3A_136 : i1 to i32
    %cond3A_138 = arith.constant 0 : i32
    %cond3A_139 = arith.cmpi ne, %convert_element_type3A_137, %cond3A_138 : i32
    scf.if %cond3A_139 {
      %run_scoped3A = arith.constant 0 : i32
      "tpu.region"() ({
        %run_scoped3A_140 = tpu.sem_alloc : memref<!tpu.dma_semaphore, #tpu.memory_space<semaphore_mem>>
        %dma_start3A_141 = arith.constant 0 : i32
        %dma_start3A_142 = tpu.memref_slice %arg6[%run_scoped3A, %dma_start3A_141] : memref<1x128xf32, #tpu.memory_space<hbm>> -> memref<1x128xf32, #tpu.memory_space<hbm>>
        %dma_start3A_143 = tpu.memref_squeeze %dma_start3A_142 : memref<1x128xf32, #tpu.memory_space<hbm>> -> memref<128xf32, #tpu.memory_space<hbm>>
        %dma_start3A_144 = arith.constant 10112 : i32
        %dma_start3A_145 = tpu.memref_slice %arg21[%dma_start3A_144] : memref<10240xf32, #tpu.memory_space<vmem_shared>> -> memref<128xf32, #tpu.memory_space<vmem_shared>>
        tpu.enqueue_dma source(%dma_start3A_145 : memref<128xf32, #tpu.memory_space<vmem_shared>>) target(%dma_start3A_143 : memref<128xf32, #tpu.memory_space<hbm>>) target_semaphore(%run_scoped3A_140 : memref<!tpu.dma_semaphore, #tpu.memory_space<semaphore_mem>>)
        %dma_wait3A_146 = arith.constant 0 : i32
        %dma_wait3A_147 = tpu.memref_slice %arg6[%run_scoped3A, %dma_wait3A_146] : memref<1x128xf32, #tpu.memory_space<hbm>> -> memref<1x128xf32, #tpu.memory_space<hbm>>
        %dma_wait3A_148 = tpu.memref_squeeze %dma_wait3A_147 : memref<1x128xf32, #tpu.memory_space<hbm>> -> memref<128xf32, #tpu.memory_space<hbm>>
        %dma_wait3A_149 = arith.constant 10112 : i32
        %dma_wait3A_150 = tpu.memref_slice %arg21[%dma_wait3A_149] : memref<10240xf32, #tpu.memory_space<vmem_shared>> -> memref<128xf32, #tpu.memory_space<vmem_shared>>
        tpu.wait_dma2 semaphore(%run_scoped3A_140 : memref<!tpu.dma_semaphore, #tpu.memory_space<semaphore_mem>>) src(%dma_wait3A_150 : memref<128xf32, #tpu.memory_space<vmem_shared>>) dst(%dma_wait3A_148 : memref<128xf32, #tpu.memory_space<hbm>>)
        tpu.yield
      }) : () -> ()
    } else {
    }
    return
  }
}

module attributes {stable_mosaic.version = 14 : i64} {
  func.func @_tc_body(%arg0: memref<647168xf32, #tpu.memory_space<vmem>>, %arg1: memref<647168xf32, #tpu.memory_space<vmem>>, %arg2: memref<1x128xf32, #tpu.memory_space<vmem>>, %arg3: memref<10000x128xf32, #tpu.memory_space<vmem>>, %arg4: memref<128x128xf32, #tpu.memory_space<vmem>>, %arg5: memref<1x128xf32, #tpu.memory_space<vmem>>, %arg6: memref<64x128xf32, #tpu.memory_space<vmem>>) attributes {dimension_semantics = [], scalar_prefetch = 0 : i64, scratch_operands = 0 : i64, tpu.core_type = #tpu.core_type<tc>} {
    %get3A = arith.constant 0 : index
    %get3A_0 = vector.load %arg0[%get3A] : memref<647168xf32, #tpu.memory_space<vmem>>, vector<10112xf32>
    %get3A_1 = arith.constant 0 : index
    %get3A_2 = vector.load %arg1[%get3A_1] : memref<647168xf32, #tpu.memory_space<vmem>>, vector<10112xf32>
    %add3A = arith.addf %get3A_0, %get3A_2 : vector<10112xf32>
    %reshape3A = vector.shape_cast %add3A : vector<10112xf32> to vector<1x10112xf32>
    %get3A_3 = arith.constant 10112 : index
    %get3A_4 = vector.load %arg0[%get3A_3] : memref<647168xf32, #tpu.memory_space<vmem>>, vector<10112xf32>
    %get3A_5 = arith.constant 10112 : index
    %get3A_6 = vector.load %arg1[%get3A_5] : memref<647168xf32, #tpu.memory_space<vmem>>, vector<10112xf32>
    %add3A_7 = arith.addf %get3A_4, %get3A_6 : vector<10112xf32>
    %reshape3A_8 = vector.shape_cast %add3A_7 : vector<10112xf32> to vector<1x10112xf32>
    %get3A_9 = arith.constant 20224 : index
    %get3A_10 = vector.load %arg0[%get3A_9] : memref<647168xf32, #tpu.memory_space<vmem>>, vector<10112xf32>
    %get3A_11 = arith.constant 20224 : index
    %get3A_12 = vector.load %arg1[%get3A_11] : memref<647168xf32, #tpu.memory_space<vmem>>, vector<10112xf32>
    %add3A_13 = arith.addf %get3A_10, %get3A_12 : vector<10112xf32>
    %reshape3A_14 = vector.shape_cast %add3A_13 : vector<10112xf32> to vector<1x10112xf32>
    %get3A_15 = arith.constant 30336 : index
    %get3A_16 = vector.load %arg0[%get3A_15] : memref<647168xf32, #tpu.memory_space<vmem>>, vector<10112xf32>
    %get3A_17 = arith.constant 30336 : index
    %get3A_18 = vector.load %arg1[%get3A_17] : memref<647168xf32, #tpu.memory_space<vmem>>, vector<10112xf32>
    %add3A_19 = arith.addf %get3A_16, %get3A_18 : vector<10112xf32>
    %reshape3A_20 = vector.shape_cast %add3A_19 : vector<10112xf32> to vector<1x10112xf32>
    %get3A_21 = arith.constant 40448 : index
    %get3A_22 = vector.load %arg0[%get3A_21] : memref<647168xf32, #tpu.memory_space<vmem>>, vector<10112xf32>
    %get3A_23 = arith.constant 40448 : index
    %get3A_24 = vector.load %arg1[%get3A_23] : memref<647168xf32, #tpu.memory_space<vmem>>, vector<10112xf32>
    %add3A_25 = arith.addf %get3A_22, %get3A_24 : vector<10112xf32>
    %reshape3A_26 = vector.shape_cast %add3A_25 : vector<10112xf32> to vector<1x10112xf32>
    %get3A_27 = arith.constant 50560 : index
    %get3A_28 = vector.load %arg0[%get3A_27] : memref<647168xf32, #tpu.memory_space<vmem>>, vector<10112xf32>
    %get3A_29 = arith.constant 50560 : index
    %get3A_30 = vector.load %arg1[%get3A_29] : memref<647168xf32, #tpu.memory_space<vmem>>, vector<10112xf32>
    %add3A_31 = arith.addf %get3A_28, %get3A_30 : vector<10112xf32>
    %reshape3A_32 = vector.shape_cast %add3A_31 : vector<10112xf32> to vector<1x10112xf32>
    %get3A_33 = arith.constant 60672 : index
    %get3A_34 = vector.load %arg0[%get3A_33] : memref<647168xf32, #tpu.memory_space<vmem>>, vector<10112xf32>
    %get3A_35 = arith.constant 60672 : index
    %get3A_36 = vector.load %arg1[%get3A_35] : memref<647168xf32, #tpu.memory_space<vmem>>, vector<10112xf32>
    %add3A_37 = arith.addf %get3A_34, %get3A_36 : vector<10112xf32>
    %reshape3A_38 = vector.shape_cast %add3A_37 : vector<10112xf32> to vector<1x10112xf32>
    %get3A_39 = arith.constant 70784 : index
    %get3A_40 = vector.load %arg0[%get3A_39] : memref<647168xf32, #tpu.memory_space<vmem>>, vector<10112xf32>
    %get3A_41 = arith.constant 70784 : index
    %get3A_42 = vector.load %arg1[%get3A_41] : memref<647168xf32, #tpu.memory_space<vmem>>, vector<10112xf32>
    %add3A_43 = arith.addf %get3A_40, %get3A_42 : vector<10112xf32>
    %reshape3A_44 = vector.shape_cast %add3A_43 : vector<10112xf32> to vector<1x10112xf32>
    %get3A_45 = arith.constant 80896 : index
    %get3A_46 = vector.load %arg0[%get3A_45] : memref<647168xf32, #tpu.memory_space<vmem>>, vector<10112xf32>
    %get3A_47 = arith.constant 80896 : index
    %get3A_48 = vector.load %arg1[%get3A_47] : memref<647168xf32, #tpu.memory_space<vmem>>, vector<10112xf32>
    %add3A_49 = arith.addf %get3A_46, %get3A_48 : vector<10112xf32>
    %reshape3A_50 = vector.shape_cast %add3A_49 : vector<10112xf32> to vector<1x10112xf32>
    %get3A_51 = arith.constant 91008 : index
    %get3A_52 = vector.load %arg0[%get3A_51] : memref<647168xf32, #tpu.memory_space<vmem>>, vector<10112xf32>
    %get3A_53 = arith.constant 91008 : index
    %get3A_54 = vector.load %arg1[%get3A_53] : memref<647168xf32, #tpu.memory_space<vmem>>, vector<10112xf32>
    %add3A_55 = arith.addf %get3A_52, %get3A_54 : vector<10112xf32>
    %reshape3A_56 = vector.shape_cast %add3A_55 : vector<10112xf32> to vector<1x10112xf32>
    %get3A_57 = arith.constant 101120 : index
    %get3A_58 = vector.load %arg0[%get3A_57] : memref<647168xf32, #tpu.memory_space<vmem>>, vector<10112xf32>
    %get3A_59 = arith.constant 101120 : index
    %get3A_60 = vector.load %arg1[%get3A_59] : memref<647168xf32, #tpu.memory_space<vmem>>, vector<10112xf32>
    %add3A_61 = arith.addf %get3A_58, %get3A_60 : vector<10112xf32>
    %reshape3A_62 = vector.shape_cast %add3A_61 : vector<10112xf32> to vector<1x10112xf32>
    %get3A_63 = arith.constant 111232 : index
    %get3A_64 = vector.load %arg0[%get3A_63] : memref<647168xf32, #tpu.memory_space<vmem>>, vector<10112xf32>
    %get3A_65 = arith.constant 111232 : index
    %get3A_66 = vector.load %arg1[%get3A_65] : memref<647168xf32, #tpu.memory_space<vmem>>, vector<10112xf32>
    %add3A_67 = arith.addf %get3A_64, %get3A_66 : vector<10112xf32>
    %reshape3A_68 = vector.shape_cast %add3A_67 : vector<10112xf32> to vector<1x10112xf32>
    %get3A_69 = arith.constant 121344 : index
    %get3A_70 = vector.load %arg0[%get3A_69] : memref<647168xf32, #tpu.memory_space<vmem>>, vector<10112xf32>
    %get3A_71 = arith.constant 121344 : index
    %get3A_72 = vector.load %arg1[%get3A_71] : memref<647168xf32, #tpu.memory_space<vmem>>, vector<10112xf32>
    %add3A_73 = arith.addf %get3A_70, %get3A_72 : vector<10112xf32>
    %reshape3A_74 = vector.shape_cast %add3A_73 : vector<10112xf32> to vector<1x10112xf32>
    %get3A_75 = arith.constant 131456 : index
    %get3A_76 = vector.load %arg0[%get3A_75] : memref<647168xf32, #tpu.memory_space<vmem>>, vector<10112xf32>
    %get3A_77 = arith.constant 131456 : index
    %get3A_78 = vector.load %arg1[%get3A_77] : memref<647168xf32, #tpu.memory_space<vmem>>, vector<10112xf32>
    %add3A_79 = arith.addf %get3A_76, %get3A_78 : vector<10112xf32>
    %reshape3A_80 = vector.shape_cast %add3A_79 : vector<10112xf32> to vector<1x10112xf32>
    %get3A_81 = arith.constant 141568 : index
    %get3A_82 = vector.load %arg0[%get3A_81] : memref<647168xf32, #tpu.memory_space<vmem>>, vector<10112xf32>
    %get3A_83 = arith.constant 141568 : index
    %get3A_84 = vector.load %arg1[%get3A_83] : memref<647168xf32, #tpu.memory_space<vmem>>, vector<10112xf32>
    %add3A_85 = arith.addf %get3A_82, %get3A_84 : vector<10112xf32>
    %reshape3A_86 = vector.shape_cast %add3A_85 : vector<10112xf32> to vector<1x10112xf32>
    %get3A_87 = arith.constant 151680 : index
    %get3A_88 = vector.load %arg0[%get3A_87] : memref<647168xf32, #tpu.memory_space<vmem>>, vector<10112xf32>
    %get3A_89 = arith.constant 151680 : index
    %get3A_90 = vector.load %arg1[%get3A_89] : memref<647168xf32, #tpu.memory_space<vmem>>, vector<10112xf32>
    %add3A_91 = arith.addf %get3A_88, %get3A_90 : vector<10112xf32>
    %reshape3A_92 = vector.shape_cast %add3A_91 : vector<10112xf32> to vector<1x10112xf32>
    %get3A_93 = arith.constant 161792 : index
    %get3A_94 = vector.load %arg0[%get3A_93] : memref<647168xf32, #tpu.memory_space<vmem>>, vector<10112xf32>
    %get3A_95 = arith.constant 161792 : index
    %get3A_96 = vector.load %arg1[%get3A_95] : memref<647168xf32, #tpu.memory_space<vmem>>, vector<10112xf32>
    %add3A_97 = arith.addf %get3A_94, %get3A_96 : vector<10112xf32>
    %reshape3A_98 = vector.shape_cast %add3A_97 : vector<10112xf32> to vector<1x10112xf32>
    %get3A_99 = arith.constant 171904 : index
    %get3A_100 = vector.load %arg0[%get3A_99] : memref<647168xf32, #tpu.memory_space<vmem>>, vector<10112xf32>
    %get3A_101 = arith.constant 171904 : index
    %get3A_102 = vector.load %arg1[%get3A_101] : memref<647168xf32, #tpu.memory_space<vmem>>, vector<10112xf32>
    %add3A_103 = arith.addf %get3A_100, %get3A_102 : vector<10112xf32>
    %reshape3A_104 = vector.shape_cast %add3A_103 : vector<10112xf32> to vector<1x10112xf32>
    %get3A_105 = arith.constant 182016 : index
    %get3A_106 = vector.load %arg0[%get3A_105] : memref<647168xf32, #tpu.memory_space<vmem>>, vector<10112xf32>
    %get3A_107 = arith.constant 182016 : index
    %get3A_108 = vector.load %arg1[%get3A_107] : memref<647168xf32, #tpu.memory_space<vmem>>, vector<10112xf32>
    %add3A_109 = arith.addf %get3A_106, %get3A_108 : vector<10112xf32>
    %reshape3A_110 = vector.shape_cast %add3A_109 : vector<10112xf32> to vector<1x10112xf32>
    %get3A_111 = arith.constant 192128 : index
    %get3A_112 = vector.load %arg0[%get3A_111] : memref<647168xf32, #tpu.memory_space<vmem>>, vector<10112xf32>
    %get3A_113 = arith.constant 192128 : index
    %get3A_114 = vector.load %arg1[%get3A_113] : memref<647168xf32, #tpu.memory_space<vmem>>, vector<10112xf32>
    %add3A_115 = arith.addf %get3A_112, %get3A_114 : vector<10112xf32>
    %reshape3A_116 = vector.shape_cast %add3A_115 : vector<10112xf32> to vector<1x10112xf32>
    %get3A_117 = arith.constant 202240 : index
    %get3A_118 = vector.load %arg0[%get3A_117] : memref<647168xf32, #tpu.memory_space<vmem>>, vector<10112xf32>
    %get3A_119 = arith.constant 202240 : index
    %get3A_120 = vector.load %arg1[%get3A_119] : memref<647168xf32, #tpu.memory_space<vmem>>, vector<10112xf32>
    %add3A_121 = arith.addf %get3A_118, %get3A_120 : vector<10112xf32>
    %reshape3A_122 = vector.shape_cast %add3A_121 : vector<10112xf32> to vector<1x10112xf32>
    %get3A_123 = arith.constant 212352 : index
    %get3A_124 = vector.load %arg0[%get3A_123] : memref<647168xf32, #tpu.memory_space<vmem>>, vector<10112xf32>
    %get3A_125 = arith.constant 212352 : index
    %get3A_126 = vector.load %arg1[%get3A_125] : memref<647168xf32, #tpu.memory_space<vmem>>, vector<10112xf32>
    %add3A_127 = arith.addf %get3A_124, %get3A_126 : vector<10112xf32>
    %reshape3A_128 = vector.shape_cast %add3A_127 : vector<10112xf32> to vector<1x10112xf32>
    %get3A_129 = arith.constant 222464 : index
    %get3A_130 = vector.load %arg0[%get3A_129] : memref<647168xf32, #tpu.memory_space<vmem>>, vector<10112xf32>
    %get3A_131 = arith.constant 222464 : index
    %get3A_132 = vector.load %arg1[%get3A_131] : memref<647168xf32, #tpu.memory_space<vmem>>, vector<10112xf32>
    %add3A_133 = arith.addf %get3A_130, %get3A_132 : vector<10112xf32>
    %reshape3A_134 = vector.shape_cast %add3A_133 : vector<10112xf32> to vector<1x10112xf32>
    %get3A_135 = arith.constant 232576 : index
    %get3A_136 = vector.load %arg0[%get3A_135] : memref<647168xf32, #tpu.memory_space<vmem>>, vector<10112xf32>
    %get3A_137 = arith.constant 232576 : index
    %get3A_138 = vector.load %arg1[%get3A_137] : memref<647168xf32, #tpu.memory_space<vmem>>, vector<10112xf32>
    %add3A_139 = arith.addf %get3A_136, %get3A_138 : vector<10112xf32>
    %reshape3A_140 = vector.shape_cast %add3A_139 : vector<10112xf32> to vector<1x10112xf32>
    %get3A_141 = arith.constant 242688 : index
    %get3A_142 = vector.load %arg0[%get3A_141] : memref<647168xf32, #tpu.memory_space<vmem>>, vector<10112xf32>
    %get3A_143 = arith.constant 242688 : index
    %get3A_144 = vector.load %arg1[%get3A_143] : memref<647168xf32, #tpu.memory_space<vmem>>, vector<10112xf32>
    %add3A_145 = arith.addf %get3A_142, %get3A_144 : vector<10112xf32>
    %reshape3A_146 = vector.shape_cast %add3A_145 : vector<10112xf32> to vector<1x10112xf32>
    %get3A_147 = arith.constant 252800 : index
    %get3A_148 = vector.load %arg0[%get3A_147] : memref<647168xf32, #tpu.memory_space<vmem>>, vector<10112xf32>
    %get3A_149 = arith.constant 252800 : index
    %get3A_150 = vector.load %arg1[%get3A_149] : memref<647168xf32, #tpu.memory_space<vmem>>, vector<10112xf32>
    %add3A_151 = arith.addf %get3A_148, %get3A_150 : vector<10112xf32>
    %reshape3A_152 = vector.shape_cast %add3A_151 : vector<10112xf32> to vector<1x10112xf32>
    %get3A_153 = arith.constant 262912 : index
    %get3A_154 = vector.load %arg0[%get3A_153] : memref<647168xf32, #tpu.memory_space<vmem>>, vector<10112xf32>
    %get3A_155 = arith.constant 262912 : index
    %get3A_156 = vector.load %arg1[%get3A_155] : memref<647168xf32, #tpu.memory_space<vmem>>, vector<10112xf32>
    %add3A_157 = arith.addf %get3A_154, %get3A_156 : vector<10112xf32>
    %reshape3A_158 = vector.shape_cast %add3A_157 : vector<10112xf32> to vector<1x10112xf32>
    %get3A_159 = arith.constant 273024 : index
    %get3A_160 = vector.load %arg0[%get3A_159] : memref<647168xf32, #tpu.memory_space<vmem>>, vector<10112xf32>
    %get3A_161 = arith.constant 273024 : index
    %get3A_162 = vector.load %arg1[%get3A_161] : memref<647168xf32, #tpu.memory_space<vmem>>, vector<10112xf32>
    %add3A_163 = arith.addf %get3A_160, %get3A_162 : vector<10112xf32>
    %reshape3A_164 = vector.shape_cast %add3A_163 : vector<10112xf32> to vector<1x10112xf32>
    %get3A_165 = arith.constant 283136 : index
    %get3A_166 = vector.load %arg0[%get3A_165] : memref<647168xf32, #tpu.memory_space<vmem>>, vector<10112xf32>
    %get3A_167 = arith.constant 283136 : index
    %get3A_168 = vector.load %arg1[%get3A_167] : memref<647168xf32, #tpu.memory_space<vmem>>, vector<10112xf32>
    %add3A_169 = arith.addf %get3A_166, %get3A_168 : vector<10112xf32>
    %reshape3A_170 = vector.shape_cast %add3A_169 : vector<10112xf32> to vector<1x10112xf32>
    %get3A_171 = arith.constant 293248 : index
    %get3A_172 = vector.load %arg0[%get3A_171] : memref<647168xf32, #tpu.memory_space<vmem>>, vector<10112xf32>
    %get3A_173 = arith.constant 293248 : index
    %get3A_174 = vector.load %arg1[%get3A_173] : memref<647168xf32, #tpu.memory_space<vmem>>, vector<10112xf32>
    %add3A_175 = arith.addf %get3A_172, %get3A_174 : vector<10112xf32>
    %reshape3A_176 = vector.shape_cast %add3A_175 : vector<10112xf32> to vector<1x10112xf32>
    %get3A_177 = arith.constant 303360 : index
    %get3A_178 = vector.load %arg0[%get3A_177] : memref<647168xf32, #tpu.memory_space<vmem>>, vector<10112xf32>
    %get3A_179 = arith.constant 303360 : index
    %get3A_180 = vector.load %arg1[%get3A_179] : memref<647168xf32, #tpu.memory_space<vmem>>, vector<10112xf32>
    %add3A_181 = arith.addf %get3A_178, %get3A_180 : vector<10112xf32>
    %reshape3A_182 = vector.shape_cast %add3A_181 : vector<10112xf32> to vector<1x10112xf32>
    %get3A_183 = arith.constant 313472 : index
    %get3A_184 = vector.load %arg0[%get3A_183] : memref<647168xf32, #tpu.memory_space<vmem>>, vector<10112xf32>
    %get3A_185 = arith.constant 313472 : index
    %get3A_186 = vector.load %arg1[%get3A_185] : memref<647168xf32, #tpu.memory_space<vmem>>, vector<10112xf32>
    %add3A_187 = arith.addf %get3A_184, %get3A_186 : vector<10112xf32>
    %reshape3A_188 = vector.shape_cast %add3A_187 : vector<10112xf32> to vector<1x10112xf32>
    %get3A_189 = arith.constant 323584 : index
    %get3A_190 = vector.load %arg0[%get3A_189] : memref<647168xf32, #tpu.memory_space<vmem>>, vector<10112xf32>
    %get3A_191 = arith.constant 323584 : index
    %get3A_192 = vector.load %arg1[%get3A_191] : memref<647168xf32, #tpu.memory_space<vmem>>, vector<10112xf32>
    %add3A_193 = arith.addf %get3A_190, %get3A_192 : vector<10112xf32>
    %reshape3A_194 = vector.shape_cast %add3A_193 : vector<10112xf32> to vector<1x10112xf32>
    %get3A_195 = arith.constant 333696 : index
    %get3A_196 = vector.load %arg0[%get3A_195] : memref<647168xf32, #tpu.memory_space<vmem>>, vector<10112xf32>
    %get3A_197 = arith.constant 333696 : index
    %get3A_198 = vector.load %arg1[%get3A_197] : memref<647168xf32, #tpu.memory_space<vmem>>, vector<10112xf32>
    %add3A_199 = arith.addf %get3A_196, %get3A_198 : vector<10112xf32>
    %reshape3A_200 = vector.shape_cast %add3A_199 : vector<10112xf32> to vector<1x10112xf32>
    %get3A_201 = arith.constant 343808 : index
    %get3A_202 = vector.load %arg0[%get3A_201] : memref<647168xf32, #tpu.memory_space<vmem>>, vector<10112xf32>
    %get3A_203 = arith.constant 343808 : index
    %get3A_204 = vector.load %arg1[%get3A_203] : memref<647168xf32, #tpu.memory_space<vmem>>, vector<10112xf32>
    %add3A_205 = arith.addf %get3A_202, %get3A_204 : vector<10112xf32>
    %reshape3A_206 = vector.shape_cast %add3A_205 : vector<10112xf32> to vector<1x10112xf32>
    %get3A_207 = arith.constant 353920 : index
    %get3A_208 = vector.load %arg0[%get3A_207] : memref<647168xf32, #tpu.memory_space<vmem>>, vector<10112xf32>
    %get3A_209 = arith.constant 353920 : index
    %get3A_210 = vector.load %arg1[%get3A_209] : memref<647168xf32, #tpu.memory_space<vmem>>, vector<10112xf32>
    %add3A_211 = arith.addf %get3A_208, %get3A_210 : vector<10112xf32>
    %reshape3A_212 = vector.shape_cast %add3A_211 : vector<10112xf32> to vector<1x10112xf32>
    %get3A_213 = arith.constant 364032 : index
    %get3A_214 = vector.load %arg0[%get3A_213] : memref<647168xf32, #tpu.memory_space<vmem>>, vector<10112xf32>
    %get3A_215 = arith.constant 364032 : index
    %get3A_216 = vector.load %arg1[%get3A_215] : memref<647168xf32, #tpu.memory_space<vmem>>, vector<10112xf32>
    %add3A_217 = arith.addf %get3A_214, %get3A_216 : vector<10112xf32>
    %reshape3A_218 = vector.shape_cast %add3A_217 : vector<10112xf32> to vector<1x10112xf32>
    %get3A_219 = arith.constant 374144 : index
    %get3A_220 = vector.load %arg0[%get3A_219] : memref<647168xf32, #tpu.memory_space<vmem>>, vector<10112xf32>
    %get3A_221 = arith.constant 374144 : index
    %get3A_222 = vector.load %arg1[%get3A_221] : memref<647168xf32, #tpu.memory_space<vmem>>, vector<10112xf32>
    %add3A_223 = arith.addf %get3A_220, %get3A_222 : vector<10112xf32>
    %reshape3A_224 = vector.shape_cast %add3A_223 : vector<10112xf32> to vector<1x10112xf32>
    %get3A_225 = arith.constant 384256 : index
    %get3A_226 = vector.load %arg0[%get3A_225] : memref<647168xf32, #tpu.memory_space<vmem>>, vector<10112xf32>
    %get3A_227 = arith.constant 384256 : index
    %get3A_228 = vector.load %arg1[%get3A_227] : memref<647168xf32, #tpu.memory_space<vmem>>, vector<10112xf32>
    %add3A_229 = arith.addf %get3A_226, %get3A_228 : vector<10112xf32>
    %reshape3A_230 = vector.shape_cast %add3A_229 : vector<10112xf32> to vector<1x10112xf32>
    %get3A_231 = arith.constant 394368 : index
    %get3A_232 = vector.load %arg0[%get3A_231] : memref<647168xf32, #tpu.memory_space<vmem>>, vector<10112xf32>
    %get3A_233 = arith.constant 394368 : index
    %get3A_234 = vector.load %arg1[%get3A_233] : memref<647168xf32, #tpu.memory_space<vmem>>, vector<10112xf32>
    %add3A_235 = arith.addf %get3A_232, %get3A_234 : vector<10112xf32>
    %reshape3A_236 = vector.shape_cast %add3A_235 : vector<10112xf32> to vector<1x10112xf32>
    %get3A_237 = arith.constant 404480 : index
    %get3A_238 = vector.load %arg0[%get3A_237] : memref<647168xf32, #tpu.memory_space<vmem>>, vector<10112xf32>
    %get3A_239 = arith.constant 404480 : index
    %get3A_240 = vector.load %arg1[%get3A_239] : memref<647168xf32, #tpu.memory_space<vmem>>, vector<10112xf32>
    %add3A_241 = arith.addf %get3A_238, %get3A_240 : vector<10112xf32>
    %reshape3A_242 = vector.shape_cast %add3A_241 : vector<10112xf32> to vector<1x10112xf32>
    %get3A_243 = arith.constant 414592 : index
    %get3A_244 = vector.load %arg0[%get3A_243] : memref<647168xf32, #tpu.memory_space<vmem>>, vector<10112xf32>
    %get3A_245 = arith.constant 414592 : index
    %get3A_246 = vector.load %arg1[%get3A_245] : memref<647168xf32, #tpu.memory_space<vmem>>, vector<10112xf32>
    %add3A_247 = arith.addf %get3A_244, %get3A_246 : vector<10112xf32>
    %reshape3A_248 = vector.shape_cast %add3A_247 : vector<10112xf32> to vector<1x10112xf32>
    %get3A_249 = arith.constant 424704 : index
    %get3A_250 = vector.load %arg0[%get3A_249] : memref<647168xf32, #tpu.memory_space<vmem>>, vector<10112xf32>
    %get3A_251 = arith.constant 424704 : index
    %get3A_252 = vector.load %arg1[%get3A_251] : memref<647168xf32, #tpu.memory_space<vmem>>, vector<10112xf32>
    %add3A_253 = arith.addf %get3A_250, %get3A_252 : vector<10112xf32>
    %reshape3A_254 = vector.shape_cast %add3A_253 : vector<10112xf32> to vector<1x10112xf32>
    %get3A_255 = arith.constant 434816 : index
    %get3A_256 = vector.load %arg0[%get3A_255] : memref<647168xf32, #tpu.memory_space<vmem>>, vector<10112xf32>
    %get3A_257 = arith.constant 434816 : index
    %get3A_258 = vector.load %arg1[%get3A_257] : memref<647168xf32, #tpu.memory_space<vmem>>, vector<10112xf32>
    %add3A_259 = arith.addf %get3A_256, %get3A_258 : vector<10112xf32>
    %reshape3A_260 = vector.shape_cast %add3A_259 : vector<10112xf32> to vector<1x10112xf32>
    %get3A_261 = arith.constant 444928 : index
    %get3A_262 = vector.load %arg0[%get3A_261] : memref<647168xf32, #tpu.memory_space<vmem>>, vector<10112xf32>
    %get3A_263 = arith.constant 444928 : index
    %get3A_264 = vector.load %arg1[%get3A_263] : memref<647168xf32, #tpu.memory_space<vmem>>, vector<10112xf32>
    %add3A_265 = arith.addf %get3A_262, %get3A_264 : vector<10112xf32>
    %reshape3A_266 = vector.shape_cast %add3A_265 : vector<10112xf32> to vector<1x10112xf32>
    %get3A_267 = arith.constant 455040 : index
    %get3A_268 = vector.load %arg0[%get3A_267] : memref<647168xf32, #tpu.memory_space<vmem>>, vector<10112xf32>
    %get3A_269 = arith.constant 455040 : index
    %get3A_270 = vector.load %arg1[%get3A_269] : memref<647168xf32, #tpu.memory_space<vmem>>, vector<10112xf32>
    %add3A_271 = arith.addf %get3A_268, %get3A_270 : vector<10112xf32>
    %reshape3A_272 = vector.shape_cast %add3A_271 : vector<10112xf32> to vector<1x10112xf32>
    %get3A_273 = arith.constant 465152 : index
    %get3A_274 = vector.load %arg0[%get3A_273] : memref<647168xf32, #tpu.memory_space<vmem>>, vector<10112xf32>
    %get3A_275 = arith.constant 465152 : index
    %get3A_276 = vector.load %arg1[%get3A_275] : memref<647168xf32, #tpu.memory_space<vmem>>, vector<10112xf32>
    %add3A_277 = arith.addf %get3A_274, %get3A_276 : vector<10112xf32>
    %reshape3A_278 = vector.shape_cast %add3A_277 : vector<10112xf32> to vector<1x10112xf32>
    %get3A_279 = arith.constant 475264 : index
    %get3A_280 = vector.load %arg0[%get3A_279] : memref<647168xf32, #tpu.memory_space<vmem>>, vector<10112xf32>
    %get3A_281 = arith.constant 475264 : index
    %get3A_282 = vector.load %arg1[%get3A_281] : memref<647168xf32, #tpu.memory_space<vmem>>, vector<10112xf32>
    %add3A_283 = arith.addf %get3A_280, %get3A_282 : vector<10112xf32>
    %reshape3A_284 = vector.shape_cast %add3A_283 : vector<10112xf32> to vector<1x10112xf32>
    %get3A_285 = arith.constant 485376 : index
    %get3A_286 = vector.load %arg0[%get3A_285] : memref<647168xf32, #tpu.memory_space<vmem>>, vector<10112xf32>
    %get3A_287 = arith.constant 485376 : index
    %get3A_288 = vector.load %arg1[%get3A_287] : memref<647168xf32, #tpu.memory_space<vmem>>, vector<10112xf32>
    %add3A_289 = arith.addf %get3A_286, %get3A_288 : vector<10112xf32>
    %reshape3A_290 = vector.shape_cast %add3A_289 : vector<10112xf32> to vector<1x10112xf32>
    %get3A_291 = arith.constant 495488 : index
    %get3A_292 = vector.load %arg0[%get3A_291] : memref<647168xf32, #tpu.memory_space<vmem>>, vector<10112xf32>
    %get3A_293 = arith.constant 495488 : index
    %get3A_294 = vector.load %arg1[%get3A_293] : memref<647168xf32, #tpu.memory_space<vmem>>, vector<10112xf32>
    %add3A_295 = arith.addf %get3A_292, %get3A_294 : vector<10112xf32>
    %reshape3A_296 = vector.shape_cast %add3A_295 : vector<10112xf32> to vector<1x10112xf32>
    %get3A_297 = arith.constant 505600 : index
    %get3A_298 = vector.load %arg0[%get3A_297] : memref<647168xf32, #tpu.memory_space<vmem>>, vector<10112xf32>
    %get3A_299 = arith.constant 505600 : index
    %get3A_300 = vector.load %arg1[%get3A_299] : memref<647168xf32, #tpu.memory_space<vmem>>, vector<10112xf32>
    %add3A_301 = arith.addf %get3A_298, %get3A_300 : vector<10112xf32>
    %reshape3A_302 = vector.shape_cast %add3A_301 : vector<10112xf32> to vector<1x10112xf32>
    %get3A_303 = arith.constant 515712 : index
    %get3A_304 = vector.load %arg0[%get3A_303] : memref<647168xf32, #tpu.memory_space<vmem>>, vector<10112xf32>
    %get3A_305 = arith.constant 515712 : index
    %get3A_306 = vector.load %arg1[%get3A_305] : memref<647168xf32, #tpu.memory_space<vmem>>, vector<10112xf32>
    %add3A_307 = arith.addf %get3A_304, %get3A_306 : vector<10112xf32>
    %reshape3A_308 = vector.shape_cast %add3A_307 : vector<10112xf32> to vector<1x10112xf32>
    %get3A_309 = arith.constant 525824 : index
    %get3A_310 = vector.load %arg0[%get3A_309] : memref<647168xf32, #tpu.memory_space<vmem>>, vector<10112xf32>
    %get3A_311 = arith.constant 525824 : index
    %get3A_312 = vector.load %arg1[%get3A_311] : memref<647168xf32, #tpu.memory_space<vmem>>, vector<10112xf32>
    %add3A_313 = arith.addf %get3A_310, %get3A_312 : vector<10112xf32>
    %reshape3A_314 = vector.shape_cast %add3A_313 : vector<10112xf32> to vector<1x10112xf32>
    %get3A_315 = arith.constant 535936 : index
    %get3A_316 = vector.load %arg0[%get3A_315] : memref<647168xf32, #tpu.memory_space<vmem>>, vector<10112xf32>
    %get3A_317 = arith.constant 535936 : index
    %get3A_318 = vector.load %arg1[%get3A_317] : memref<647168xf32, #tpu.memory_space<vmem>>, vector<10112xf32>
    %add3A_319 = arith.addf %get3A_316, %get3A_318 : vector<10112xf32>
    %reshape3A_320 = vector.shape_cast %add3A_319 : vector<10112xf32> to vector<1x10112xf32>
    %get3A_321 = arith.constant 546048 : index
    %get3A_322 = vector.load %arg0[%get3A_321] : memref<647168xf32, #tpu.memory_space<vmem>>, vector<10112xf32>
    %get3A_323 = arith.constant 546048 : index
    %get3A_324 = vector.load %arg1[%get3A_323] : memref<647168xf32, #tpu.memory_space<vmem>>, vector<10112xf32>
    %add3A_325 = arith.addf %get3A_322, %get3A_324 : vector<10112xf32>
    %reshape3A_326 = vector.shape_cast %add3A_325 : vector<10112xf32> to vector<1x10112xf32>
    %get3A_327 = arith.constant 556160 : index
    %get3A_328 = vector.load %arg0[%get3A_327] : memref<647168xf32, #tpu.memory_space<vmem>>, vector<10112xf32>
    %get3A_329 = arith.constant 556160 : index
    %get3A_330 = vector.load %arg1[%get3A_329] : memref<647168xf32, #tpu.memory_space<vmem>>, vector<10112xf32>
    %add3A_331 = arith.addf %get3A_328, %get3A_330 : vector<10112xf32>
    %reshape3A_332 = vector.shape_cast %add3A_331 : vector<10112xf32> to vector<1x10112xf32>
    %get3A_333 = arith.constant 566272 : index
    %get3A_334 = vector.load %arg0[%get3A_333] : memref<647168xf32, #tpu.memory_space<vmem>>, vector<10112xf32>
    %get3A_335 = arith.constant 566272 : index
    %get3A_336 = vector.load %arg1[%get3A_335] : memref<647168xf32, #tpu.memory_space<vmem>>, vector<10112xf32>
    %add3A_337 = arith.addf %get3A_334, %get3A_336 : vector<10112xf32>
    %reshape3A_338 = vector.shape_cast %add3A_337 : vector<10112xf32> to vector<1x10112xf32>
    %get3A_339 = arith.constant 576384 : index
    %get3A_340 = vector.load %arg0[%get3A_339] : memref<647168xf32, #tpu.memory_space<vmem>>, vector<10112xf32>
    %get3A_341 = arith.constant 576384 : index
    %get3A_342 = vector.load %arg1[%get3A_341] : memref<647168xf32, #tpu.memory_space<vmem>>, vector<10112xf32>
    %add3A_343 = arith.addf %get3A_340, %get3A_342 : vector<10112xf32>
    %reshape3A_344 = vector.shape_cast %add3A_343 : vector<10112xf32> to vector<1x10112xf32>
    %get3A_345 = arith.constant 586496 : index
    %get3A_346 = vector.load %arg0[%get3A_345] : memref<647168xf32, #tpu.memory_space<vmem>>, vector<10112xf32>
    %get3A_347 = arith.constant 586496 : index
    %get3A_348 = vector.load %arg1[%get3A_347] : memref<647168xf32, #tpu.memory_space<vmem>>, vector<10112xf32>
    %add3A_349 = arith.addf %get3A_346, %get3A_348 : vector<10112xf32>
    %reshape3A_350 = vector.shape_cast %add3A_349 : vector<10112xf32> to vector<1x10112xf32>
    %get3A_351 = arith.constant 596608 : index
    %get3A_352 = vector.load %arg0[%get3A_351] : memref<647168xf32, #tpu.memory_space<vmem>>, vector<10112xf32>
    %get3A_353 = arith.constant 596608 : index
    %get3A_354 = vector.load %arg1[%get3A_353] : memref<647168xf32, #tpu.memory_space<vmem>>, vector<10112xf32>
    %add3A_355 = arith.addf %get3A_352, %get3A_354 : vector<10112xf32>
    %reshape3A_356 = vector.shape_cast %add3A_355 : vector<10112xf32> to vector<1x10112xf32>
    %get3A_357 = arith.constant 606720 : index
    %get3A_358 = vector.load %arg0[%get3A_357] : memref<647168xf32, #tpu.memory_space<vmem>>, vector<10112xf32>
    %get3A_359 = arith.constant 606720 : index
    %get3A_360 = vector.load %arg1[%get3A_359] : memref<647168xf32, #tpu.memory_space<vmem>>, vector<10112xf32>
    %add3A_361 = arith.addf %get3A_358, %get3A_360 : vector<10112xf32>
    %reshape3A_362 = vector.shape_cast %add3A_361 : vector<10112xf32> to vector<1x10112xf32>
    %get3A_363 = arith.constant 616832 : index
    %get3A_364 = vector.load %arg0[%get3A_363] : memref<647168xf32, #tpu.memory_space<vmem>>, vector<10112xf32>
    %get3A_365 = arith.constant 616832 : index
    %get3A_366 = vector.load %arg1[%get3A_365] : memref<647168xf32, #tpu.memory_space<vmem>>, vector<10112xf32>
    %add3A_367 = arith.addf %get3A_364, %get3A_366 : vector<10112xf32>
    %reshape3A_368 = vector.shape_cast %add3A_367 : vector<10112xf32> to vector<1x10112xf32>
    %get3A_369 = arith.constant 626944 : index
    %get3A_370 = vector.load %arg0[%get3A_369] : memref<647168xf32, #tpu.memory_space<vmem>>, vector<10112xf32>
    %get3A_371 = arith.constant 626944 : index
    %get3A_372 = vector.load %arg1[%get3A_371] : memref<647168xf32, #tpu.memory_space<vmem>>, vector<10112xf32>
    %add3A_373 = arith.addf %get3A_370, %get3A_372 : vector<10112xf32>
    %reshape3A_374 = vector.shape_cast %add3A_373 : vector<10112xf32> to vector<1x10112xf32>
    %get3A_375 = arith.constant 637056 : index
    %get3A_376 = vector.load %arg0[%get3A_375] : memref<647168xf32, #tpu.memory_space<vmem>>, vector<10112xf32>
    %get3A_377 = arith.constant 637056 : index
    %get3A_378 = vector.load %arg1[%get3A_377] : memref<647168xf32, #tpu.memory_space<vmem>>, vector<10112xf32>
    %add3A_379 = arith.addf %get3A_376, %get3A_378 : vector<10112xf32>
    %reshape3A_380 = vector.shape_cast %add3A_379 : vector<10112xf32> to vector<1x10112xf32>
    %concatenate3A = tpu.concatenate %reshape3A, %reshape3A_8, %reshape3A_14, %reshape3A_20, %reshape3A_26, %reshape3A_32, %reshape3A_38, %reshape3A_44, %reshape3A_50, %reshape3A_56, %reshape3A_62, %reshape3A_68, %reshape3A_74, %reshape3A_80, %reshape3A_86, %reshape3A_92, %reshape3A_98, %reshape3A_104, %reshape3A_110, %reshape3A_116, %reshape3A_122, %reshape3A_128, %reshape3A_134, %reshape3A_140, %reshape3A_146, %reshape3A_152, %reshape3A_158, %reshape3A_164, %reshape3A_170, %reshape3A_176, %reshape3A_182, %reshape3A_188, %reshape3A_194, %reshape3A_200, %reshape3A_206, %reshape3A_212, %reshape3A_218, %reshape3A_224, %reshape3A_230, %reshape3A_236, %reshape3A_242, %reshape3A_248, %reshape3A_254, %reshape3A_260, %reshape3A_266, %reshape3A_272, %reshape3A_278, %reshape3A_284, %reshape3A_290, %reshape3A_296, %reshape3A_302, %reshape3A_308, %reshape3A_314, %reshape3A_320, %reshape3A_326, %reshape3A_332, %reshape3A_338, %reshape3A_344, %reshape3A_350, %reshape3A_356, %reshape3A_362, %reshape3A_368, %reshape3A_374, %reshape3A_380 in 0 : vector<1x10112xf32>, vector<1x10112xf32>, vector<1x10112xf32>, vector<1x10112xf32>, vector<1x10112xf32>, vector<1x10112xf32>, vector<1x10112xf32>, vector<1x10112xf32>, vector<1x10112xf32>, vector<1x10112xf32>, vector<1x10112xf32>, vector<1x10112xf32>, vector<1x10112xf32>, vector<1x10112xf32>, vector<1x10112xf32>, vector<1x10112xf32>, vector<1x10112xf32>, vector<1x10112xf32>, vector<1x10112xf32>, vector<1x10112xf32>, vector<1x10112xf32>, vector<1x10112xf32>, vector<1x10112xf32>, vector<1x10112xf32>, vector<1x10112xf32>, vector<1x10112xf32>, vector<1x10112xf32>, vector<1x10112xf32>, vector<1x10112xf32>, vector<1x10112xf32>, vector<1x10112xf32>, vector<1x10112xf32>, vector<1x10112xf32>, vector<1x10112xf32>, vector<1x10112xf32>, vector<1x10112xf32>, vector<1x10112xf32>, vector<1x10112xf32>, vector<1x10112xf32>, vector<1x10112xf32>, vector<1x10112xf32>, vector<1x10112xf32>, vector<1x10112xf32>, vector<1x10112xf32>, vector<1x10112xf32>, vector<1x10112xf32>, vector<1x10112xf32>, vector<1x10112xf32>, vector<1x10112xf32>, vector<1x10112xf32>, vector<1x10112xf32>, vector<1x10112xf32>, vector<1x10112xf32>, vector<1x10112xf32>, vector<1x10112xf32>, vector<1x10112xf32>, vector<1x10112xf32>, vector<1x10112xf32>, vector<1x10112xf32>, vector<1x10112xf32>, vector<1x10112xf32>, vector<1x10112xf32>, vector<1x10112xf32>, vector<1x10112xf32> -> vector<64x10112xf32>
    %slice3A = vector.extract_strided_slice %concatenate3A {offsets = [0, 0], sizes = [64, 10000], strides = [1, 1]} : vector<64x10112xf32> to vector<64x10000xf32>
    %get3A_381 = arith.constant 0 : index
    %get3A_382 = arith.constant 0 : index
    %get3A_383 = vector.load %arg3[%get3A_381, %get3A_382] : memref<10000x128xf32, #tpu.memory_space<vmem>>, vector<10000x128xf32>
    %dot_general3A = arith.constant dense<0.000000e+00> : vector<64x128xf32>
    %dot_general3A_384 = tpu.matmul %slice3A, %get3A_383, %dot_general3A {dimension_numbers = #tpu.dot_dimension_numbers<[1], [0], [0], [1], [0, 0, 1, 1], [], []>, transpose_lhs_hint = false} : vector<64x10000xf32>, vector<10000x128xf32>, vector<64x128xf32> -> vector<64x128xf32>
    %get3A_385 = arith.constant 0 : index
    %get3A_386 = arith.constant 0 : index
    %get3A_387 = vector.load %arg4[%get3A_385, %get3A_386] : memref<128x128xf32, #tpu.memory_space<vmem>>, vector<128x128xf32>
    %dot_general3A_388 = arith.constant dense<0.000000e+00> : vector<64x128xf32>
    %dot_general3A_389 = tpu.matmul %dot_general3A_384, %get3A_387, %dot_general3A_388 {dimension_numbers = #tpu.dot_dimension_numbers<[1], [0], [0], [1], [0, 0, 1, 1], [], []>, transpose_lhs_hint = false} : vector<64x128xf32>, vector<128x128xf32>, vector<64x128xf32> -> vector<64x128xf32>
    %get3A_390 = arith.constant 0 : index
    %get3A_391 = arith.constant 0 : index
    %get3A_392 = vector.load %arg2[%get3A_390, %get3A_391] : memref<1x128xf32, #tpu.memory_space<vmem>>, vector<1x64xf32>
    %iota3A = tpu.iota {dimensions = array<i32: 0>} : vector<64x64xi32>
    %iota3A_393 = tpu.iota {dimensions = array<i32: 1>} : vector<64x64xi32>
    %eq3A = arith.cmpi eq, %iota3A, %iota3A_393 : vector<64x64xi32>
    %max3A = arith.constant 1.000000e+00 : f32
    %max3A_394 = vector.broadcast %max3A : f32 to vector<1x64xf32>
    %max3A_395 = arith.maximumf %get3A_392, %max3A_394 : vector<1x64xf32>
    %div3A = arith.constant 1.000000e+00 : f32
    %div3A_396 = vector.broadcast %div3A : f32 to vector<1x64xf32>
    %div3A_397 = arith.divf %div3A_396, %max3A_395 : vector<1x64xf32>
    %jit3A = arith.constant 0.000000e+00 : f32
    %broadcast_in_dim3A = vector.shape_cast %div3A_397 : vector<1x64xf32> to vector<1x64xf32>
    %broadcast_in_dim3A_398 = vector.broadcast %broadcast_in_dim3A : vector<1x64xf32> to vector<64x64xf32>
    %broadcast_in_dim3A_399 = vector.broadcast %jit3A : f32 to vector<64x64xf32>
    %select_n3A = arith.select %eq3A, %broadcast_in_dim3A_398, %broadcast_in_dim3A_399 : vector<64x64xi1>, vector<64x64xf32>
    %gt3A = arith.constant 0.000000e+00 : f32
    %gt3A_400 = vector.broadcast %gt3A : f32 to vector<1x64xf32>
    %gt3A_401 = arith.cmpf ogt, %get3A_392, %gt3A_400 : vector<1x64xf32>
    %and3A = vector.broadcast %gt3A_401 : vector<1x64xi1> to vector<64x64xi1>
    %and3A_402 = arith.andi %eq3A, %and3A : vector<64x64xi1>
    %jit3A_403 = arith.constant 1.000000e+00 : f32
    %jit3A_404 = arith.constant 0.000000e+00 : f32
    %broadcast_in_dim3A_405 = vector.broadcast %jit3A_403 : f32 to vector<64x64xf32>
    %broadcast_in_dim3A_406 = vector.broadcast %jit3A_404 : f32 to vector<64x64xf32>
    %select_n3A_407 = arith.select %and3A_402, %broadcast_in_dim3A_405, %broadcast_in_dim3A_406 : vector<64x64xi1>, vector<64x64xf32>
    %get3A_408 = arith.constant 0 : index
    %get3A_409 = arith.constant 0 : index
    %get3A_410 = vector.load %arg5[%get3A_408, %get3A_409] : memref<1x128xf32, #tpu.memory_space<vmem>>, vector<1x128xf32>
    %broadcast_in_dim3A_411 = vector.shape_cast %get3A_410 : vector<1x128xf32> to vector<1x128xf32>
    %broadcast_in_dim3A_412 = vector.broadcast %broadcast_in_dim3A_411 : vector<1x128xf32> to vector<64x128xf32>
    %dot_general3A_413 = arith.constant dense<0.000000e+00> : vector<64x128xf32>
    %dot_general3A_414 = tpu.matmul %select_n3A, %dot_general3A_389, %dot_general3A_413 {dimension_numbers = #tpu.dot_dimension_numbers<[1], [0], [0], [1], [0, 0, 1, 1], [], []>, transpose_lhs_hint = false} : vector<64x64xf32>, vector<64x128xf32>, vector<64x128xf32> -> vector<64x128xf32>
    %dot_general3A_415 = arith.constant dense<0.000000e+00> : vector<64x128xf32>
    %dot_general3A_416 = tpu.matmul %select_n3A_407, %broadcast_in_dim3A_412, %dot_general3A_415 {dimension_numbers = #tpu.dot_dimension_numbers<[1], [0], [0], [1], [0, 0, 1, 1], [], []>, transpose_lhs_hint = false} : vector<64x64xf32>, vector<64x128xf32>, vector<64x128xf32> -> vector<64x128xf32>
    %add3A_417 = arith.addf %dot_general3A_414, %dot_general3A_416 : vector<64x128xf32>
    %swap3A = arith.constant 0 : index
    %swap3A_418 = arith.constant 0 : index
    %swap3A_419 = vector.load %arg6[%swap3A, %swap3A_418] : memref<64x128xf32, #tpu.memory_space<vmem>>, vector<64x128xf32>
    tpu.vector_store %arg6[%swap3A, %swap3A_418], %add3A_417 {strides = array<i32>} : memref<64x128xf32, #tpu.memory_space<vmem>>, vector<64x128xf32>,
    return
  }
}

</mosaic_0001>

<sc_bundles>
// kernel: kernel.4.cloned.1.call-start
scs
__scs_entry_jumppad:
0x0: {  	(pc) =	sbr.rel $0x88, $3  }
0x1: {  	(tag) =	ssettag $0x0;
	lr =	simm.s32 $0x1  }
0x2: {  	[smem:$0x3F9C] =	sst lr;
	_ =	strace $0xD0000000  }
0x3: {  	_ = 	snop  }
0x4: {  	_ = 	snop  }
0x5: {  	_ = 	snop  }
0x6: {  	_ = 	snop  }
0x7: {  	_ = 	snop  }
__scs_overlays_trampoline_lowered:
0x8: {  	[smem:$0x3FAB] =	sst s0  }
0x9: {  	[smem:$0x3FAC] =	sst s1  }
0xa: {  	[smem:$0x3FAD] =	sst s2  }
0xb: {  	[smem:$0x3FAE] =	sst s3  }
0xc: {  	[smem:$0x3FAF] =	sst s4  }
0xd: {  	[smem:$0x3FB0] =	sst s5  }
0xe: {  	[smem:$0x3FB1] =	sst s6  }
0xf: {  	[smem:$0x3FB2] =	sst s7  }
0x10: {  	[smem:$0x3FB3] =	sst s8  }
0x11: {  	[smem:$0x3FB4] =	sst s9;
	s0 =	simm.s32 @!p0 $0x0  }
0x12: {  	s1 =	sld [smem:$0x3F9A];
	s0 =	simm.s32 @p0 $0x1  }
0x13: {  	[smem:$0x3FB5] =	sst s0;
	s0 =	simm.s32 @!p1 $0x0  }
0x14: {  	s2 =	sld [smem:$0x3F99];
	s0 =	simm.s32 @p1 $0x1  }
0x15: {  	[smem:$0x3FB6] =	sst s0;
	s0 =	simm.s32 @!p2 $0x0  }
0x16: {  	s3 =	sld [smem:$0x3FDB];
	s0 =	simm.s32 @p2 $0x1  }
0x17: {  	s4 =	simm.s32 $0x1BF5;
	[smem:$0x3FB8] =	sst s0  }
0x18: {  	s0 =	sld [smem:$0x3F9B];
	_ =	swait.ge [sflag:s4], $0x0  }
0x19: {  	s7 =	sld [smem:$0x3F9C]  }
0x1a: {  	s8 =	sadd.s32 $0xFFFFE003, lr  }
0x1b: {  	s9 =	sadd.s32 $0xFFFFFEF7, lr;
	s5 =	simm.s32 $0xFFFFFFFF;
	p2 =	slt.u32 s8, $0xFFFFF086  }
0x1c: {  	p1 =	slt.u32 s9, $0xF7A;
	s5 =	simm.s32 @!p2 $0x0  }
0x1d: {  	s5 =	simm.s32 @p1 $0x1;
	p0 =	seq.s32 s7, s2  }
0x1e: {  	s7 =	smul.u32 @!p0 $0xF7A, s2;
	p2 =	seq.s32 @!p0 s5, $0x0  }
0x1f: {  	s9 =	smul.u32 $0xF7A, s1;
	s8 =	simm.s32 @!p0 $0x1BF5;
	p2 =	por !p2, p0  }
0x20: {  	[sflag:s8] =	ssyncset.s32 @!p0 $0xFFFFF086;
	s6 =	sadd.s32 @!p0 s3, s7;
	s7 =	simm.s32 @!p0 $0x108  }
0x21: {  	s3 =	sadd.s32 s3, s9;
	s6 =	sadd.s32 @!p0 $0x88, s6;
	s7 =	simm.s32 @p2 $0x1082  }
0x22: {  	[simem:s7], [sflag:s8] =	dma.local @!p0 [hbm:s6], $0xF7A  }
0x23: {  	s9 =	sor.u32 $0xD0000000, s2;
	s6 =	simm.s32 $0x108;
	_ =	swait.ge @!p0 [sflag:s8], $0x0  }
0x24: {  	s3 =	sadd.s32 $0x88, s3;
	s6 =	simm.s32 @!p1 $0x1082;
	[sflag:s4] =	ssyncset.s32 $0xFFFFF086  }
0x25: {  	[simem:s6], [sflag:s4] =	dma.local [hbm:s3], $0xF7A  }
0x26: {  	[smem:$0x3F9C] =	sst s1;
	(tag) =	ssettag s2;
	_ =	strace s9  }
0x27: {  	s1 =	sld [smem:$0x3FAC]  }
0x28: {  	s2 =	sld [smem:$0x3FAD]  }
0x29: {  	s4 =	sld [smem:$0x3FAF]  }
0x2a: {  	p0 =	seq.s32 s5, $0x0;
	s5 =	sld [smem:$0x3FB0]  }
0x2b: {  	s6 =	sld [smem:$0x3FB1]  }
0x2c: {  	s7 =	sld [smem:$0x3FB2]  }
0x2d: {  	s3 =	simm.s32 $0x108;
	s8 =	sld [smem:$0x3FB3]  }
0x2e: {  	s3 =	simm.s32 @!p0 $0x1082;
	s9 =	sld [smem:$0x3FB4]  }
0x2f: {  	lr =	sadd.s32 s0, s3;
	s0 =	sld [smem:$0x3FAB]  }
0x30: {  	s3 =	sld [smem:$0x3FAE]  }
0x31: {  	[smem:$0x3FB7] =	sst s10  }
0x32: {  	s10 =	sld [smem:$0x3FB5];
	_ =	sdelay $0x3  }
0x33: {  	p0 =	seq.s32 s10, $0x1;
	s10 =	sld [smem:$0x3FB7];
	_ =	sdelay $0x3  }
0x34: {  	[smem:$0x3FB7] =	sst s10  }
0x35: {  	s10 =	sld [smem:$0x3FB6];
	_ =	sdelay $0x3  }
0x36: {  	p1 =	seq.s32 s10, $0x1;
	s10 =	sld [smem:$0x3FB7];
	_ =	sdelay $0x3  }
0x37: {  	[smem:$0x3FB7] =	sst s10  }
0x38: {  	s10 =	sld [smem:$0x3FB8]  }
0x39: {  	_ = 	snop;
	(pc) =	sbr.ind lr, $3  }
0x3a: {  	_ = 	snop  }
0x3b: {  	_ = 	snop  }
0x3c: {  	p2 =	seq.s32 s10, $0x1;
	s10 =	sld [smem:$0x3FB7]  }
0x3d: {  	_ =	shalt  }
0x3e: {  	_ =	shalt  }
0x3f: {  	_ =	shalt  }
0x40: {  	_ =	shalt  }
0x41: {  	_ =	shalt  }
0x42: {  	_ =	shalt  }
0x43: {  	_ =	shalt  }
0x44: {  	_ =	shalt  }
0x45: {  	_ =	shalt  }
0x46: {  	_ =	shalt  }
0x47: {  	_ =	shalt  }
0x48: {  	_ =	shalt  }
0x49: {  	_ =	shalt  }
0x4a: {  	_ =	shalt  }
0x4b: {  	_ =	shalt  }
0x4c: {  	_ =	shalt  }
0x4d: {  	_ =	shalt  }
0x4e: {  	_ =	shalt  }
0x4f: {  	_ =	shalt  }
0x50: {  	_ =	shalt  }
0x51: {  	_ =	shalt  }
0x52: {  	_ =	shalt  }
0x53: {  	_ =	shalt  }
0x54: {  	_ =	shalt  }
0x55: {  	_ =	shalt  }
0x56: {  	_ =	shalt  }
0x57: {  	_ =	shalt  }
0x58: {  	_ =	shalt  }
0x59: {  	_ =	shalt  }
0x5a: {  	_ =	shalt  }
0x5b: {  	_ =	shalt  }
0x5c: {  	_ =	shalt  }
0x5d: {  	_ =	shalt  }
0x5e: {  	_ =	shalt  }
0x5f: {  	_ =	shalt  }
0x60: {  	_ =	shalt  }
0x61: {  	_ =	shalt  }
0x62: {  	_ =	shalt  }
0x63: {  	_ =	shalt  }
0x64: {  	_ =	shalt  }
0x65: {  	_ =	shalt  }
0x66: {  	_ =	shalt  }
0x67: {  	_ =	shalt  }
0x68: {  	_ =	shalt  }
0x69: {  	_ =	shalt  }
0x6a: {  	_ =	shalt  }
0x6b: {  	_ =	shalt  }
0x6c: {  	_ =	shalt  }
0x6d: {  	_ =	shalt  }
0x6e: {  	_ =	shalt  }
0x6f: {  	_ =	shalt  }
0x70: {  	_ =	shalt  }
0x71: {  	_ =	shalt  }
0x72: {  	_ =	shalt  }
0x73: {  	_ =	shalt  }
0x74: {  	_ =	shalt  }
0x75: {  	_ =	shalt  }
0x76: {  	_ =	shalt  }
0x77: {  	_ =	shalt  }
0x78: {  	_ =	shalt  }
0x79: {  	_ =	shalt  }
0x7a: {  	_ =	shalt  }
0x7b: {  	_ =	shalt  }
0x7c: {  	_ =	shalt  }
0x7d: {  	_ =	shalt  }
0x7e: {  	_ =	shalt  }
0x7f: {  	_ =	shalt  }
0x80: {  	_ =	shalt  }
0x81: {  	_ =	shalt  }
0x82: {  	_ =	shalt  }
0x83: {  	_ =	shalt  }
0x84: {  	_ =	shalt  }
0x85: {  	_ =	shalt  }
0x86: {  	_ =	shalt  }
0x87: {  	_ =	shalt  }
.Lfunc_end0:
.L_simem_size_0:
called_computation_lowered:
.L_overlay_start_0:
0x88: {  	s2 =	sld [smem:$0x3FD9]  }
0x89: {  	s3 =	sld [smem:$0x3FFE];
	_ =	sdelay $0x1  }
0x8a: {  	s1 =	srdreg.scid  }
0x8b: {  	s0 =	sand.u32 $0x1, s1  }
0x8c: {  	s17 =	sshll.u32 s0, $0xA;
	s2 =	sadd.s32 s3, s2  }
0x8d: {  	s2 =	sadd.s32 s2, s17  }
0x8e: {  	[smem:$0x3FC3] =	sst s2  }
0x8f: {  	_ = 	snop  }
0x90: {  	s2 =	sld [smem:$0x3FD0];
	(tm) =	ssettm $0x1  }
0x91: {  	s18 =	sld [smem:$0x3FFB];
	_ =	sdelay $0x3  }
0x92: {  	_ =	strace s18  }
0x93: {  	s3 =	sld [smem:$0x3FFC];
	_ =	sdelay $0x3  }
0x94: {  	_ =	strace s3  }
0x95: {  	s3 =	sld [smem:$0x3FFD];
	_ =	sdelay $0x3  }
0x96: {  	_ =	strace s3  }
0x97: {  	_ =	strace $0x8FFFFFFF  }
0x98: {  	s19 =	sld [smem:$0x3FDB];
	_ =	sdelay $0x1  }
0x99: {  	s4 =	simm.s32 $_scs_section_size  }
0x9a: {  	s5 =	simm.s32 $_size__tile_overlayer_lowered;
	s6 =	simm.s32 $_tile_overlayer_lowered  }
0x9b: {  	s22 =	simm.s32 $0x1BFF;
	s21 =	sshll.u32 s6, $0x1;
	s3 =	sadd.s32 s4, s19  }
0x9c: {  	s7 =	simm.s32 $0x0;
	s20 =	sshll.u32 s5, $0x1;
	s5 =	sadd.s32 s21, s3  }
0x9d: {  	[timem:s7], [sflag:s22] =	dma.local [hbm:s5], s20  }
0x9e: {  	_ =	swait.ge [sflag:s22], s20  }
0x9f: {  	s4 =	ssub.s32 $0x0, s20;
	[sflag:s22] =	ssyncset.done $0x0  }
0xa0: {  	[sflag:s22] =	ssyncadd.s32 s4;
	_ =	sdelay $0x1  }
0xa1: {  	s23 =	simm.s32 $0x1B8B  }
0xa2: {  	_ =	swait.ge [sflag:s23], $0x1  }
0xa3: {  	[sflag:s23] =	ssyncset.done $0x0  }
0xa4: {  	s25 =	simm.s32 $0x1B8E;
	s24 =	sld [smem:$0x3FFE];
	[sflag:s23] =	ssyncadd.s32 $0xFFFFFFFF  }
0xa5: {  	s26 =	simm.s32 $execute0_lowered;
	[smem:$0x3FD2] =	sst s25  }
0xa6: {  	s5 =	sshll.u32 s26, $0x1;
	_ =	strace $0x80000046;
	[dreg:$0x1] =	wrdreg $0xFFFFFFFF  }
0xa7: {  	s28 =	simm.s32 $_size_execute0_lowered;
	s3 =	sadd.s32 s3, s5;
	[dreg:$0x0] =	wrdreg $0x0  }
0xa8: {  	s5 =	sshll.u32 s28, $0x1;
	[dreg:$0x2] =	wrdreg s3  }
0xa9: {  	[dreg:$0x3] =	wrdreg s5  }
0xaa: {  	[dreg:$0x4] =	wrdreg $0xC0  }
0xab: {  	_ =	task [dreg:s7], $0x5FFFF  }
0xac: {  	[dreg:$0x1] =	wrdreg $0xFFFFFFFF  }
0xad: {  	[dreg:$0x0] =	wrdreg $0x60  }
0xae: {  	[dreg:$0x2] =	wrdreg s24  }
0xaf: {  	[dreg:$0x3] =	wrdreg s2  }
0xb0: {  	[dreg:$0x4] =	wrdreg $0x15B800  }
0xb1: {  	[dreg:$0x5] =	wrdreg $0x160800  }
0xb2: {  	[dreg:$0x6] =	wrdreg $0x15E000  }
0xb3: {  	[dreg:$0x7] =	wrdreg $0x9  }
0xb4: {  	_ =	task.clear_ibuf [dreg:s7], $0x8FFFF;
	_ =	strace $0x90000046  }
0xb5: {  	s29 =	simm.s32 $0x9;
	_ =	strace $0x80000048  }
0xb6: {  	_ =	swait.ge [sflag:s29], $0x1  }
0xb7: {  	[sflag:s29] =	ssyncadd.s32 $0xFFFFFFFF  }
0xb8: {  	_ =	strace $0x90000048  }
0xb9: {  	_ =	sfence  }
0xba: {  	s30 =	sld [smem:$0x0];
	_ =	sdelay $0x2  }
0xbb: {  	s31 =	sshll.u32 s1, $0xD;
	s1 =	sshrl.u32 s1, $0x2  }
0xbc: {  	s3 =	sand.u32 $0x4000, s31;
	s1 =	sadd.s32 s1, s30  }
0xbd: {  	s0 =	sor.u32 s3, s0;
	s1 =	sshll.u32 s1, $0x11  }
0xbe: {  	s0 =	sor.u32 s1, s0  }
0xbf: {  	s0 =	sadd.s32 $0x8F2B, s0  }
0xc0: {  	[sflag:s0] =	ssyncadd.remote.s32 $0x1  }
0xc1: {  	_ =	sfence.sel $0xFFFF  }
0xc2: {  	[dreg:$0x0] =	wrdreg $0xFFFFFFFF;
	(pc) =	sbr.abs _section_cstart, $3  }
0xc3: {  	[dreg:$0x1] =	wrdreg $0xFFFFFFFF  }
0xc4: {  	_ =	task.clear_ibuf [dreg:s7], $0x2FFFF;
	_ =	strace $0x9FFFFFFF  }
0xc5: {  	(tm) =	ssettm $0x7FFFFFFF  }
tec
execute0_lowered:
.L_overlay_start_1:
0x0: {  	(tag) =	ssettag $0x1  }
0x1: {  	s0 =	rddreg [dreg:$0x0]  }
0x2: {  	s2 =	rddreg [dreg:$0x2]  }
0x3: {  	s10 =	rddreg [dreg:$0x3]  }
0x4: {  	s16 =	rddreg [dreg:$0x4];
	s5 =	simm.s32 $0x0;
	s3 =	srdreg.scid  }
0x5: {  	s17 =	stileid.u32;
	s28 =	simm.s32 $0x3;
	s30 =	simm.s32 $0x7780  }
0x6: {  	s31 =	simm.s32 $0x9F00;
	s29 =	simm.s32 $0x2800;
	s8 =	smul.u32 $0x280, s17  }
0x7: {  	[smem:$0x7FF] =	sst s5;
	s1 =	sadd.s32 $0x1C00, s0;
	s12 =	smul.u32 $0x9E00, s17  }
0x8: {  	s4 =	sadd.s32 $0x15600, s0;
	s3 =	sand.u32 $0x1, s3;
	s14 =	smul.u32 $0x500, s17  }
0x9: {  	s26 =	smul.u32 $0x140, s17;
	_ =	strace $0x80000047;
	[dreg:$0x6] =	wrdreg s4  }
0xa: {  	s18 =	ssub.s32 $0x2, s3;
	s6 =	sshll.u32 s3, $0x4;
	s23 =	smul.u32 $0x5000, s3  }
0xb: {  	p0 =	seq.s32 s3, $0x0;
	s24 =	smul.u32 $0x1400, s3;
	s7 =	sshrl.u32 s18, $0x1  }
0xc: {  	s11 =	sor.u32 s17, s6;
	s6 =	ssub.s32 s17, s6;
	s10 =	sadd.s32 s12, s10  }
0xd: {  	s9 =	sadd.s32 s8, s2;
	s25 =	sshrl.u32 s12, $0x3;
	s13 =	sadd.s32 $0x13C0, s10  }
0xe: {  	s4 =	ssub.s32 s18, s7;
	s20 =	sadd.s32 $0x2780, s10;
	[dreg:$0x7] =	wrdreg s13  }
0xf: {  	s19 =	smul.u32 $0x2710, s11;
	s21 =	sadd.s32 $0x3B40, s10;
	[dreg:$0x8] =	wrdreg s20  }
0x10: {  	s6 =	smul.u32 $0x2710, s6;
	s22 =	sadd.s32 $0x4F00, s10;
	[dreg:$0x9] =	wrdreg s21  }
0x11: {  	s14 =	sadd.s32 s14, s23;
	p1 =	sne.s32 s11, $0x0;
	[dreg:$0xa] =	wrdreg s22  }
0x12: {  	s13 =	simm.s32 $0x15C00;
	s20 =	sadd.s32 s26, s24;
	s21 =	sadd.s32 $0x8A40, s10  }
0x13: {  	s23 =	smax.u32 s4, $0x1;
	s17 =	sshrl.u32 s14, $0x2;
	s26 =	simm.s32 $0x14780  }
0x14: {  	s4 =	simm.s32 $0x1;
	s7 =	sshrl.u32 s19, $0x3;
	s6 =	sadd.s32 $0x75300, s6  }
0x15: {  	s13 =	simm.s32 @!p0 $0x29800;
	s19 =	sadd.s32 $0x7680, s10;
	p0 =	sne.s32 s3, $0x0  }
0x16: {  	s18 =	sadd.s32 $0x2800, s17;
	s3 =	simm.s32 $0x0;
	s15 =	sadd.s32 s1, s7  }
0x17: {  	s6 =	sshrl.u32 s6, $0x3;
	s0 =	sadd.s32 s13, s0;
	s13 =	sadd.s32 $0x62C0, s10  }
0x18: {  	s1 =	sadd.s32 s1, s6;
	s0 =	sadd.s32 s0, s25;
	[dreg:$0xd] =	wrdreg s13  }
0x19: {  	s22 =	sadd.s32 $0x9C40, s15;
	s25 =	sadd.s32 s8, s16;
	[dreg:$0xb] =	wrdreg s1  }
0x1a: {  	v2 =	vimm.f32 $0.0e+00;
	v0 =	vmov s17;
	s6 =	simm.s32 $0x2;
	[dreg:$0xc] =	wrdreg s0;
	s1 =	sadd.s32 $0x2780, s2  }
0x1b: {  	v3 =	vimm.f32 $1.000000000e+00;
	v4 =	vlaneseq.u32;
	v1 =	vmov s18;
	s0 =	simm.s32 $0x2710;
	s24 =	sshrl.u32 @!p1 s1, $0x3;
	s1 =	simm.s32 $0x11580  }
.LBB2_1:
0x1c: {  	s7 =	simm.s32 $0x0  }
.LBB2_2:
0x1d: {  	p2 =	sne.s32 s7, $0x4EC0  }
.Ltmp0:
0x1e: {  	_ = 	snop;
	(pc) =	sbr.rel @p2 .LBB2_2-.Ltmp0, $3  }
0x1f: {  	_ =	sdelay $0x1  }
0x20: {  	s11 =	sshra.s32 s7, $0x2  }
0x21: {  	s7 =	sadd.s32 $0x40, s7;
	[tilespmem:s11+$0x14780] =	vst v2  }
0x22: {  	s7 =	simm.s32 $0x40;
	s11 =	simm.s32 $0x0  }
.LBB2_4:
0x23: {  	p2 =	sne.s32 s7, $0x9C00;
	[tilespmem:s11+$0x11580] =	vst v3;
	s11 =	smov.u32 s7;
	s7 =	sadd.s32 $0x40, s7  }
.Ltmp1:
0x24: {  	(pc) =	sbr.rel @p2 .LBB2_4-.Ltmp1, $2  }
0x25: {  	_ =	sdelay $0x2  }
0x26: {  	s11 =	sshra.s32 s11, $0x2  }
0x27: {  	[tilespmem:s11+$0x11580] =	vst v3  }
0x28: {  	[spmem:s9] =	stream.linear.scatter [tilespmem:s26], [sflag:$0x3], $0x280, $0x38;
	[tilespmem:$0x1FE80] =	vst v63  }
0x29: {  	_ =	swait.ge [sflag:s28], $0x280  }
0x2a: {  	[sflag:s28] =	ssyncset.done $0x0  }
0x2b: {  	[sflag:s28] =	ssyncadd.s32 $0xFFFFFD80  }
0x2c: {  	[spmem:s10] =	stream.linear.scatter [tilespmem:s26], [sflag:$0x3], $0x13C0, $0x38;
	[tilespmem:$0x1FE80] =	vst v63  }
0x2d: {  	_ =	swait.ge [sflag:s28], $0x13C0  }
0x2e: {  	[sflag:s28] =	ssyncset.done $0x0  }
0x2f: {  	s7 =	rddreg [dreg:$0x7];
	[sflag:s28] =	ssyncadd.s32 $0xFFFFEC40  }
0x30: {  	[spmem:s7] =	stream.linear.scatter [tilespmem:s26], [sflag:$0x3], $0x13C0, $0x38;
	[tilespmem:$0x1FE80] =	vst v63  }
0x31: {  	_ =	swait.ge [sflag:s28], $0x13C0  }
0x32: {  	[sflag:s28] =	ssyncset.done $0x0  }
0x33: {  	s17 =	rddreg [dreg:$0x8];
	[sflag:s28] =	ssyncadd.s32 $0xFFFFEC40  }
0x34: {  	[spmem:s17] =	stream.linear.scatter [tilespmem:s26], [sflag:$0x3], $0x13C0, $0x38;
	[tilespmem:$0x1FE80] =	vst v63  }
0x35: {  	_ =	swait.ge [sflag:s28], $0x13C0  }
0x36: {  	[sflag:s28] =	ssyncset.done $0x0  }
0x37: {  	s18 =	rddreg [dreg:$0x9];
	[sflag:s28] =	ssyncadd.s32 $0xFFFFEC40  }
0x38: {  	[spmem:s18] =	stream.linear.scatter [tilespmem:s26], [sflag:$0x3], $0x13C0, $0x38;
	[tilespmem:$0x1FE80] =	vst v63  }
0x39: {  	_ =	swait.ge [sflag:s28], $0x13C0  }
0x3a: {  	[sflag:s28] =	ssyncset.done $0x0  }
0x3b: {  	s11 =	rddreg [dreg:$0xa];
	[sflag:s28] =	ssyncadd.s32 $0xFFFFEC40  }
0x3c: {  	[spmem:s11] =	stream.linear.scatter [tilespmem:s26], [sflag:$0x3], $0x13C0, $0x38;
	[tilespmem:$0x1FE80] =	vst v63  }
0x3d: {  	_ =	swait.ge [sflag:s28], $0x13C0  }
0x3e: {  	[sflag:s28] =	ssyncset.done $0x0  }
0x3f: {  	s12 =	rddreg [dreg:$0xd];
	[sflag:s28] =	ssyncadd.s32 $0xFFFFEC40  }
0x40: {  	[spmem:s12] =	stream.linear.scatter [tilespmem:s26], [sflag:$0x3], $0x13C0, $0x38;
	[tilespmem:$0x1FE80] =	vst v63  }
0x41: {  	_ =	swait.ge [sflag:s28], $0x13C0  }
0x42: {  	[sflag:s28] =	ssyncset.done $0x0  }
0x43: {  	[sflag:s28] =	ssyncadd.s32 $0xFFFFEC40  }
0x44: {  	[spmem:s19] =	stream.linear.scatter [tilespmem:s26], [sflag:$0x3], $0x13C0, $0x38;
	[tilespmem:$0x1FE80] =	vst v63  }
0x45: {  	_ =	swait.ge [sflag:s28], $0x13C0  }
0x46: {  	[sflag:s28] =	ssyncset.done $0x0  }
0x47: {  	[sflag:s28] =	ssyncadd.s32 $0xFFFFEC40  }
0x48: {  	[spmem:s21] =	stream.linear.scatter [tilespmem:s26], [sflag:$0x3], $0x13C0, $0x38;
	[tilespmem:$0x1FE80] =	vst v63  }
0x49: {  	_ =	swait.ge [sflag:s28], $0x13C0  }
0x4a: {  	[sflag:s28] =	ssyncset.done $0x0  }
0x4b: {  	s13 =	simm.s32 $0x0;
	s14 =	simm.s32 $0x5000;
	[sflag:s28] =	ssyncadd.s32 $0xFFFFEC40  }
0x4c: {  	[tilespmem:s14], [sflag:$0x3] =	stream.linear.gather [hbm4b:s15+s13], $0x2710, $0x38;
	[tilespmem:$0x1FE80] =	vst v63  }
0x4d: {  	_ =	swait.ge [sflag:s28], $0x2710  }
0x4e: {  	[sflag:s28] =	ssyncset.done $0x0  }
0x4f: {  	[sflag:s28] =	ssyncadd.s32 $0xFFFFD8F0  }
0x50: {  	[tilespmem:s30], [sflag:$0x3] =	stream.linear.gather [hbm4b:s22+s13], $0x2710, $0x38;
	[tilespmem:$0x1FE80] =	vst v63  }
0x51: {  	_ =	swait.ge [sflag:s28], $0x2710  }
0x52: {  	[sflag:s28] =	ssyncset.done $0x0  }
0x53: {  	s16 =	rddreg [dreg:$0xb];
	[sflag:s28] =	ssyncadd.s32 $0xFFFFD8F0  }
0x54: {  	[tilespmem:s31], [sflag:$0x3] =	stream.linear.gather [hbm4b:s16+s13], $0x2710, $0x38;
	[tilespmem:$0x1FE80] =	vst v63  }
0x55: {  	_ =	swait.ge [sflag:s28], $0x2710  }
0x56: {  	[sflag:s28] =	ssyncset.done $0x0  }
0x57: {  	s17 =	rddreg [dreg:$0x6];
	[sflag:s28] =	ssyncadd.s32 $0xFFFFD8F0  }
0x58: {  	[tilespmem:s13], [sflag:$0x3] =	stream.linear.gather [hbm4b:s17+s13], $0x2800, $0x38;
	[tilespmem:$0x1FE80] =	vst v63  }
0x59: {  	_ =	swait.ge [sflag:s28], $0x2800  }
0x5a: {  	[sflag:s28] =	ssyncset.done $0x0  }
0x5b: {  	s18 =	sadd.s32 $0x0, s8;
	[sflag:s28] =	ssyncadd.s32 $0xFFFFD800  }
0x5c: {  	s11 =	sand.u32 $0x7F80, s18;
	s12 =	sand.u32 $0x70, s13;
	[bflag:$0x0] =	sbarrier.arrive $0xFFFF  }
0x5d: {  	[spmem:s2] =	stream.indirect.scatter.add.f32 [tilespmem:s1], [sflag:$0x1], $0x1, s30, s0, $0xb8;
	[tilespmem:$0x1FE80] =	vst v63  }
0x5e: {  	s12 =	sor.u32 s12, s11  }
0x5f: {  	[spmem:s2] =	stream.indirect.scatter.add.f32 [tilespmem:s1], [sflag:$0x1], $0x1, s31, s0, $0xb8;
	[tilespmem:$0x1FE80] =	vst v63  }
0x60: {  	v5 =	vld [tilespmem:s12+$0x0];
	_ =	sdelay $0x2  }
0x61: {  	s7 =	simm.s32 $0x13D00  }
0x62: {  	s11 =	simm.s32 $0x10;
	s13 =	sadd.s32 $0x10, s8;
	s12 =	simm.s32 $0x20  }
.LBB2_6:
0x63: {  	p2 =	sne.s32 s12, $0x270;
	s13 =	sand.u32 $0x7F80, s13;
	s11 =	sand.u32 $0x70, s11;
	v5 =	vadd.s32 $0x2780, v5  }
0x64: {  	s13 =	sor.u32 s11, s13;
	[tilespmem:s7+$0x0] =	vst v5;
	s11 =	smov.u32 s12  }
.Ltmp2:
0x65: {  	v5 =	vld [tilespmem:s13+$0x0];
	(pc) =	sbr.rel @p2 .LBB2_6-.Ltmp2, $2  }
0x66: {  	_ =	sdelay $0x2  }
0x67: {  	s12 =	sadd.s32 $0x10, s12;
	s7 =	sadd.s32 $0x10, s7;
	s13 =	sadd.s32 s11, s8  }
0x68: {  	s12 =	sand.u32 $0x7F80, s13;
	s11 =	sand.u32 $0x70, s11;
	v5 =	vadd.s32 $0x2780, v5  }
0x69: {  	s11 =	sor.u32 s11, s12;
	[tilespmem:s7+$0x0] =	vst v5  }
0x6a: {  	v5 =	vld [tilespmem:s11+$0x0];
	_ =	sdelay $0x4  }
0x6b: {  	s18 =	sadd.s32 $0x10, s7;
	v5 =	vadd.s32 $0x2780, v5  }
0x6c: {  	s7 =	simm.s32 @!p0 $0x280;
	s12 =	simm.s32 @!p0 $0x11580;
	s11 =	simm.s32 @!p0 $0x13D00;
	[tilespmem:s18+$0x0] =	vst v5  }
0x6d: {  	[spmem:s2] =	stream.indirect.scatter.add.f32 @!p0 [tilespmem:s12], [sflag:$0x2], $0x1, s11, s7, $0xb8;
	[tilespmem:$0x1FE80] =	vst v63  }
0x6e: {  	s7 =	simm.s32 @!p0 $0x2  }
0x6f: {  	_ =	swait.ge @!p0 [sflag:s7], $0x280  }
0x70: {  	[sflag:s7] =	ssyncset.done @!p0 $0x0  }
0x71: {  	[sflag:s7] =	ssyncadd.s32 @!p0 $0xFFFFFD80;
	s7 =	simm.s32 $0x0  }
0x72: {  	v5 =	vld [tilespmem:s7+$0x7780];
	_ =	sdelay $0x7  }
0x73: {  	s11 =	simm.s32 $0x10;
	s12 =	simm.s32 $0x80;
	v5 =	vld.idx.msk [tilespmem:v5+s5+$0x0], $0xffff  }
.LBB2_8:
0x74: {  	p2 =	sne.s32 s12, $0x9C00;
	v6 =	vld [tilespmem:s11+$0x7780]  }
0x75: {  	v7 =	vld [tilespmem:s7+$0x5000];
	_ =	sdelay $0x2  }
0x76: {  	v5 =	vmul.u32 $0x2780, v5  }
.Ltmp3:
0x77: {  	(pc) =	sbr.rel @p2 .LBB2_8-.Ltmp3, $4  }
0x78: {  	v5 =	vadd.s32 v7, v5  }
0x79: {  	[tilespmem:s7+$0xC680] =	vst v5;
	s7 =	smov.u32 s11  }
0x7a: {  	v5 =	vld.idx.msk [tilespmem:v6+s5+$0x0], $0xffff  }
0x7b: {  	s11 =	sshra.s32 s12, $0x2;
	s12 =	sadd.s32 $0x40, s12  }
0x7c: {  	v6 =	vld [tilespmem:s11+$0x7780]  }
0x7d: {  	v7 =	vld [tilespmem:s7+$0x5000];
	_ =	sdelay $0x2  }
0x7e: {  	v5 =	vmul.u32 $0x2780, v5;
	_ =	sdelay $0x1  }
0x7f: {  	v5 =	vadd.s32 v7, v5  }
0x80: {  	[tilespmem:s7+$0xC680] =	vst v5  }
0x81: {  	v5 =	vld.idx.msk [tilespmem:v6+s5+$0x0], $0xffff;
	_ =	sdelay $0x1  }
0x82: {  	v6 =	vld [tilespmem:s11+$0x5000];
	_ =	sdelay $0x2  }
0x83: {  	v5 =	vmul.u32 $0x2780, v5;
	_ =	sdelay $0x1  }
0x84: {  	v5 =	vadd.s32 v6, v5  }
0x85: {  	[tilespmem:s11+$0xC680] =	vst v5  }
0x86: {  	_ =	swait.ge [sflag:s4], $0x2710  }
0x87: {  	[sflag:s4] =	ssyncset.done $0x0  }
0x88: {  	[sflag:s4] =	ssyncadd.s32 $0xFFFFD8F0  }
0x89: {  	_ =	swait.ge [sflag:s4], $0x2710  }
0x8a: {  	[sflag:s4] =	ssyncset.done $0x0  }
0x8b: {  	[sflag:s4] =	ssyncadd.s32 $0xFFFFD8F0  }
0x8c: {  	s18 =	simm.s32 $0x14280;
	[bflag:$0x0] =	sbarrier.arrive $0xFFFF  }
0x8d: {  	[tilespmem:s18], [sflag:$0x3] =	stream.linear.gather [spmem:s9], $0x280, $0x38;
	[tilespmem:$0x1FE80] =	vst v63  }
0x8e: {  	_ =	swait.ge [sflag:s28], $0x280  }
0x8f: {  	[sflag:s28] =	ssyncset.done $0x0  }
0x90: {  	s11 =	simm.s32 $0x0;
	[sflag:s28] =	ssyncadd.s32 $0xFFFFFD80  }
0x91: {  	v5 =	vld [tilespmem:s11+$0x14280];
	_ =	sdelay $0x4  }
0x92: {  	s7 =	simm.s32 $0x10;
	v5 =	vadd.f32 $1.000000000e+00, v5  }
0x93: {  	v6 =	vld [tilespmem:s7+$0x14280]  }
0x94: {  	v7 =	vshrl.u32 v5, $0x1;
	v8 =	vmul.f32 $5.000000000e-01, v5  }
0x95: {  	v5 =	vsub.s32 $0x5F3759DF, v7  }
0x96: {  	v7 =	vmul.f32 v5, v8  }
0x97: {  	s12 =	simm.s32 $0x20  }
0x98: {  	v9 =	vld [tilespmem:s12+$0x14280];
	v6 =	vadd.f32 $1.000000000e+00, v6;
	v7 =	vmul.f32 v5, v7;
	_ =	sdelay $0x1  }
0x99: {  	v10 =	vshrl.u32 v6, $0x1;
	v12 =	vmul.f32 $5.000000000e-01, v6;
	v6 =	vsub.f32 $1.500000000e+00, v7  }
0x9a: {  	v7 =	vsub.s32 $0x5F3759DF, v10  }
0x9b: {  	v10 =	vmul.f32 v7, v12;
	v6 =	vmul.f32 v5, v6  }
0x9c: {  	s13 =	simm.s32 $0x30;
	v5 =	vadd.f32 $1.000000000e+00, v9  }
0x9d: {  	v9 =	vld [tilespmem:s13+$0x14280];
	v10 =	vmul.f32 v7, v10;
	v11 =	vmul.f32 v6, v8  }
0x9e: {  	v13 =	vshrl.u32 v5, $0x1;
	v5 =	vmul.f32 $5.000000000e-01, v5  }
0x9f: {  	v10 =	vsub.f32 $1.500000000e+00, v10;
	v13 =	vsub.s32 $0x5F3759DF, v13;
	v11 =	vmul.f32 v11, v6  }
0xa0: {  	v14 =	vmul.f32 v13, v5  }
0xa1: {  	v7 =	vmul.f32 v7, v10;
	v10 =	vsub.f32 $1.500000000e+00, v11  }
0xa2: {  	v9 =	vadd.f32 $1.000000000e+00, v9;
	v14 =	vmul.f32 v13, v14  }
0xa3: {  	s14 =	simm.s32 $0x40;
	v15 =	vmul.f32 v7, v12;
	v10 =	vmul.f32 v10, v6  }
0xa4: {  	v11 =	vld [tilespmem:s14+$0x14280];
	v16 =	vshrl.u32 v9, $0x1;
	v6 =	vmul.f32 $5.000000000e-01, v9;
	v9 =	vsub.f32 $1.500000000e+00, v14  }
0xa5: {  	v17 =	vsub.s32 $0x5F3759DF, v16;
	v14 =	vmul.f32 v15, v7;
	v8 =	vmul.f32 v10, v8  }
0xa6: {  	v15 =	vmul.f32 v17, v6;
	v9 =	vmul.f32 v13, v9  }
0xa7: {  	v13 =	vsub.f32 $1.500000000e+00, v14;
	v8 =	vmul.f32 v8, v10  }
0xa8: {  	v14 =	vmul.f32 v17, v15;
	v15 =	vmul.f32 v9, v5  }
0xa9: {  	s16 =	simm.s32 $0x50;
	v11 =	vadd.f32 $1.000000000e+00, v11;
	v7 =	vmul.f32 v13, v7  }
0xaa: {  	v18 =	vsub.f32 $1.500000000e+00, v8;
	v19 =	vsub.f32 $1.500000000e+00, v14;
	v14 =	vmul.f32 v15, v9;
	v15 =	vld [tilespmem:s16+$0x14280]  }
0xab: {  	v16 =	vshrl.u32 v11, $0x1;
	v8 =	vmul.f32 $5.000000000e-01, v11  }
0xac: {  	v11 =	vsub.s32 $0x5F3759DF, v16;
	v13 =	vmul.f32 v7, v12;
	v10 =	vmul.f32 v18, v10  }
0xad: {  	s17 =	simm.s32 $0x180;
	v16 =	vmul.f32 v11, v8;
	v12 =	vmul.f32 v17, v19  }
.LBB2_10:
0xae: {  	s18 =	sshra.s32 s17, $0x2  }
0xaf: {  	v17 =	vadd.f32 $1.000000000e+00, v15;
	v14 =	vsub.f32 $1.500000000e+00, v14;
	v13 =	vmul.f32 v13, v7;
	[tilespmem:s11+$0x14500] =	vst v10;
	s11 =	smov.u32 s7;
	s7 =	smov.u32 s12;
	p2 =	sne.s32 s17, $0x9C0  }
.Ltmp4:
0xb0: {  	s12 =	smov.u32 s13;
	s13 =	smov.u32 s14;
	v15 =	vld [tilespmem:s18+$0x14280];
	v10 =	vmul.f32 v11, v16;
	v16 =	vmul.f32 v12, v6;
	(pc) =	sbr.rel @p2 .LBB2_10-.Ltmp4, $4  }
0xb1: {  	s17 =	sadd.s32 $0x40, s17;
	s14 =	smov.u32 s16;
	v18 =	vshrl.u32 v17, $0x1;
	v19 =	vmul.f32 v14, v9;
	v20 =	vsub.f32 $1.500000000e+00, v13;
	v9 =	vmovc v12  }
0xb2: {  	s16 =	smov.u32 s18;
	v17 =	vmul.f32 $5.000000000e-01, v17;
	v12 =	vsub.f32 $1.500000000e+00, v10;
	v14 =	vmul.f32 v16, v9  }
0xb3: {  	v18 =	vsub.s32 $0x5F3759DF, v18;
	v13 =	vmul.f32 v19, v5;
	v10 =	vmul.f32 v20, v7;
	v7 =	vmovc v19;
	v5 =	vmovc v6  }
0xb4: {  	v16 =	vmul.f32 v18, v17;
	v6 =	vmovc v8;
	v8 =	vmovc v17;
	v12 =	vmul.f32 v11, v12;
	v11 =	vmov v18  }
0xb5: {  	v15 =	vadd.f32 $1.000000000e+00, v15;
	_ =	sdelay $0x1  }
0xb6: {  	v17 =	vshrl.u32 v15, $0x1;
	v15 =	vmul.f32 $5.000000000e-01, v15  }
0xb7: {  	v17 =	vsub.s32 $0x5F3759DF, v17  }
0xb8: {  	v18 =	vmul.f32 v17, v15  }
0xb9: {  	v16 =	vmul.f32 v11, v16  }
0xba: {  	v18 =	vmul.f32 v17, v18  }
0xbb: {  	v16 =	vsub.f32 $1.500000000e+00, v16  }
0xbc: {  	v18 =	vsub.f32 $1.500000000e+00, v18  }
0xbd: {  	v56 =	vmul.f32 v11, v16  }
0xbe: {  	v57 =	vmul.f32 v12, v6;
	v17 =	vmul.f32 v17, v18  }
0xbf: {  	v58 =	vmul.f32 v56, v8  }
0xc0: {  	v16 =	vmul.f32 v57, v12;
	v19 =	vmul.f32 v17, v15  }
0xc1: {  	v14 =	vsub.f32 $1.500000000e+00, v14;
	v18 =	vmul.f32 v58, v56  }
0xc2: {  	v16 =	vsub.f32 $1.500000000e+00, v16;
	v19 =	vmul.f32 v19, v17  }
0xc3: {  	v9 =	vmul.f32 v14, v9;
	v59 =	vsub.f32 $1.500000000e+00, v18  }
0xc4: {  	v13 =	vmul.f32 v13, v7;
	v60 =	vmul.f32 v16, v12;
	v61 =	vsub.f32 $1.500000000e+00, v19  }
0xc5: {  	v5 =	vmul.f32 v9, v5;
	v11 =	vmul.f32 v59, v56  }
0xc6: {  	v6 =	vmul.f32 v60, v6;
	v62 =	vmul.f32 v61, v17  }
0xc7: {  	v5 =	vmul.f32 v5, v9;
	v8 =	vmul.f32 v11, v8  }
0xc8: {  	v13 =	vsub.f32 $1.500000000e+00, v13;
	v6 =	vmul.f32 v6, v60;
	v15 =	vmul.f32 v62, v15  }
0xc9: {  	v5 =	vsub.f32 $1.500000000e+00, v5;
	v8 =	vmul.f32 v8, v11  }
0xca: {  	v7 =	vmul.f32 v13, v7;
	v6 =	vsub.f32 $1.500000000e+00, v6;
	v63 =	vmul.f32 v15, v62  }
0xcb: {  	[tilespmem:s11+$0x14500] =	vst v10;
	v5 =	vmul.f32 v5, v9;
	v8 =	vsub.f32 $1.500000000e+00, v8  }
0xcc: {  	[tilespmem:s7+$0x14500] =	vst v7;
	v6 =	vmul.f32 v6, v60;
	v7 =	vsub.f32 $1.500000000e+00, v63  }
0xcd: {  	[tilespmem:s12+$0x14500] =	vst v5;
	v5 =	vmul.f32 v8, v11  }
0xce: {  	[tilespmem:s13+$0x14500] =	vst v6;
	v6 =	vmul.f32 v7, v62  }
0xcf: {  	[tilespmem:s14+$0x14500] =	vst v5  }
0xd0: {  	s17 =	simm.s32 $0x14500;
	[tilespmem:s16+$0x14500] =	vst v6  }
0xd1: {  	[spmem:s25] =	stream.linear.scatter [tilespmem:s17], [sflag:$0x3], $0x280, $0x38;
	[tilespmem:$0x1FE80] =	vst v63  }
0xd2: {  	_ =	swait.ge [sflag:s28], $0x280  }
0xd3: {  	[sflag:s28] =	ssyncset.done $0x0  }
0xd4: {  	[sflag:s28] =	ssyncadd.s32 $0xFFFFFD80  }
0xd5: {  	[bflag:$0x0] =	sbarrier.arrive $0xFFFF  }
0xd6: {  	s18 =	rddreg [dreg:$0x4]  }
0xd7: {  	[tilespmem:s29], [sflag:$0x3] =	stream.linear.gather [spmem:s18], $0x2800, $0x38;
	[tilespmem:$0x1FE80] =	vst v63  }
0xd8: {  	_ =	swait.ge [sflag:s28], $0x2800  }
0xd9: {  	[sflag:s28] =	ssyncset.done $0x0  }
0xda: {  	s11 =	simm.s32 $0x0;
	[sflag:s28] =	ssyncadd.s32 $0xFFFFD800  }
0xdb: {  	v5 =	vld [tilespmem:s11+$0x5000]  }
0xdc: {  	v6 =	vld [tilespmem:s11+$0x7780];
	_ =	sdelay $0x6  }
0xdd: {  	v5 =	vld.idx.msk [tilespmem:v5+s29+$0x0], $0xffff  }
0xde: {  	s12 =	simm.s32 $0x10;
	v7 =	vld.idx.msk [tilespmem:v6+s29+$0x0], $0xffff  }
0xdf: {  	s7 =	simm.s32 $0x40;
	s13 =	simm.s32 $0x80;
	v6 =	vld [tilespmem:s12+$0x5000]  }
.LBB2_12:
0xe0: {  	p2 =	sne.s32 s13, $0x9C00;
	v8 =	vld [tilespmem:s12+$0x7780];
	_ =	sdelay $0x3  }
0xe1: {  	v5 =	vmul.f32 v5, v7  }
.Ltmp5:
0xe2: {  	(pc) =	sbr.rel @p2 .LBB2_12-.Ltmp5, $4  }
0xe3: {  	[tilespmem:s11+$0xEE00] =	vst v5;
	s11 =	smov.u32 s12  }
0xe4: {  	v5 =	vld.idx.msk [tilespmem:v6+s29+$0x0], $0xffff  }
0xe5: {  	s12 =	sshra.s32 s13, $0x2;
	v7 =	vld.idx.msk [tilespmem:v8+s29+$0x0], $0xffff  }
0xe6: {  	s13 =	sadd.s32 $0x40, s13;
	v6 =	vld [tilespmem:s12+$0x5000]  }
0xe7: {  	_ = 	snop  }
0xe8: {  	v8 =	vld [tilespmem:s12+$0x7780];
	_ =	sdelay $0x3  }
0xe9: {  	v5 =	vmul.f32 v5, v7;
	_ =	sdelay $0x1  }
0xea: {  	[tilespmem:s11+$0xEE00] =	vst v5  }
0xeb: {  	v5 =	vld.idx.msk [tilespmem:v6+s29+$0x0], $0xffff  }
0xec: {  	v6 =	vld.idx.msk [tilespmem:v8+s29+$0x0], $0xffff;
	_ =	sdelay $0x4  }
0xed: {  	v5 =	vmul.f32 v5, v6;
	_ =	sdelay $0x1  }
0xee: {  	s11 =	simm.s32 $0x0;
	[tilespmem:s12+$0xEE00] =	vst v5  }
0xef: {  	v5 =	vld.idx.msk [tilespmem:v0+s11+$0x0 ss:$0x1], $0xffff  }
0xf0: {  	v6 =	vld.idx.msk [tilespmem:v1+s11+$0x0 ss:$0x1], $0xffff;
	_ =	sdelay $0x3  }
0xf1: {  	v5 =	vmul.u32 $0x2780, v5  }
0xf2: {  	v7 =	vmov s20;
	v6 =	vmul.f32 v6, v6  }
0xf3: {  	vm0 =	vlt.u32 v7, $0x2710;
	v5 =	vadd.s32 s20, v5  }
0xf4: {  	s13 =	simm.s32 $0x80;
	s12 =	smov.u32 s20;
	v6 =	vnsel vm0, $0x0, v6;
	v5 =	vadd.s32 v4, v5  }
.LBB2_14:
0xf5: {  	s14 =	sshra.s32 s7, $0x2  }
0xf6: {  	v5 =	vnsel vm0, $0x0, v5;
	[tilespmem:s11+$0x14100] =	vst v6;
	s12 =	sadd.s32 $0x10, s12;
	s7 =	smov.u32 s13;
	s16 =	sadd.s32 $0x40, s13  }
0xf7: {  	p2 =	sne.s32 s13, $0x4C0;
	[tilespmem:s11+$0x13F80] =	vst v5;
	s11 =	smov.u32 s14  }
0xf8: {  	v5 =	vld.idx.msk [tilespmem:v0+s11+$0x0 ss:$0x1], $0xffff  }
0xf9: {  	v6 =	vld.idx.msk [tilespmem:v1+s11+$0x0 ss:$0x1], $0xffff;
	_ =	sdelay $0x3  }
.Ltmp6:
0xfa: {  	(pc) =	sbr.rel @p2 .LBB2_14-.Ltmp6, $4  }
0xfb: {  	v5 =	vmul.u32 $0x2780, v5  }
0xfc: {  	v7 =	vmov s12;
	v6 =	vmul.f32 v6, v6  }
0xfd: {  	vm0 =	vlt.u32 v7, $0x2710;
	v5 =	vadd.s32 s12, v5  }
0xfe: {  	s13 =	smov.u32 s16;
	v5 =	vadd.s32 v4, v5;
	v6 =	vnsel vm0, $0x0, v6  }
0xff: {  	_ =	sdelay $0x1  }
0x100: {  	v5 =	vnsel vm0, $0x0, v5;
	[tilespmem:s11+$0x14100] =	vst v6  }
0x101: {  	s7 =	sshra.s32 s7, $0x2;
	[tilespmem:s11+$0x13F80] =	vst v5  }
0x102: {  	v5 =	vld.idx.msk [tilespmem:v0+s7+$0x0 ss:$0x1], $0xffff  }
0x103: {  	v6 =	vld.idx.msk [tilespmem:v1+s7+$0x0 ss:$0x1], $0xffff;
	_ =	sdelay $0x3  }
0x104: {  	s14 =	sadd.s32 $0x10, s12;
	v5 =	vmul.u32 $0x2780, v5  }
0x105: {  	v7 =	vmov s14;
	v6 =	vmul.f32 v6, v6  }
0x106: {  	vm15 =	vlt.u32 v7, $0x2710;
	v5 =	vadd.s32 s14, v5  }
0x107: {  	v6 =	vnsel vm15, $0x0, v6;
	v5 =	vadd.s32 v4, v5  }
0x108: {  	[tilespmem:s7+$0x14100] =	vst v6;
	v5 =	vnsel vm15, $0x0, v5  }
0x109: {  	s16 =	rddreg [dreg:$0x3];
	s17 =	simm.s32 $0xC680;
	s18 =	simm.s32 $0xEE00;
	[tilespmem:s7+$0x13F80] =	vst v5  }
0x10a: {  	[spmem:s16] =	stream.indirect.scatter.add.f32 [tilespmem:s18], [sflag:$0x1], $0x1, s17, s0, $0xb8;
	[tilespmem:$0x1FE80] =	vst v63  }
0x10b: {  	s12 =	simm.s32 $0x140;
	s13 =	simm.s32 $0x14100;
	s14 =	simm.s32 $0x13F80  }
0x10c: {  	[spmem:s16] =	stream.indirect.scatter.add.f32 [tilespmem:s13], [sflag:$0x2], $0x1, s14, s12, $0xb8;
	[tilespmem:$0x1FE80] =	vst v63  }
0x10d: {  	_ =	swait.ge [sflag:s6], $0x140  }
0x10e: {  	[sflag:s6] =	ssyncset.done $0x0  }
0x10f: {  	[sflag:s6] =	ssyncadd.s32 $0xFFFFFEC0  }
0x110: {  	_ =	swait.ge [sflag:s4], $0x2710  }
0x111: {  	[sflag:s4] =	ssyncset.done $0x0  }
0x112: {  	s16 =	stileid.u32;
	[sflag:s4] =	ssyncadd.s32 $0xFFFFD8F0  }
0x113: {  	s7 =	sshll.u32 s16, $0x6;
	[bflag:$0x0] =	sbarrier.arrive $0xFFFF  }
0x114: {  	s17 =	sshrl.u32 s10, $0x3;
	s7 =	sor.u32 $0x1C03, s7;
	s18 =	rddreg [dreg:$0xc]  }
0x115: {  	[hbm:s18], [sflag:s7] =	dma.local [spmem:s17], $0x13C0  }
0x116: {  	_ =	swait.ge [sflag:s28], $0x13C0  }
0x117: {  	[sflag:s28] =	ssyncset.done $0x0  }
0x118: {  	s3 =	sadd.s32 $0x1, s3;
	[sflag:s28] =	ssyncadd.s32 $0xFFFFEC40  }
0x119: {  	p2 =	sne.s32 s3, s23;
	s11 =	rddreg [dreg:$0x1]  }
0x11a: {  	[hbm:s11], [sflag:s7] =	dma.local @!p1 [spmem:s24], $0x10  }
.Ltmp7:
0x11b: {  	_ = 	snop;
	(pc) =	sbr.rel @p2 .LBB2_1-.Ltmp7, $4  }
0x11c: {  	s7 =	simm.s32 @!p1 $0x3  }
0x11d: {  	_ =	swait.ge @!p1 [sflag:s7], $0x10  }
0x11e: {  	[sflag:s7] =	ssyncset.done @!p1 $0x0  }
0x11f: {  	[sflag:s7] =	ssyncadd.s32 @!p1 $0xFFFFFFF0  }
0x120: {  	_ =	sfence.sel $0x180000  }
0x121: {  	[bflag:$0x0] =	sbarrier.arrive $0xFFFF  }
0x122: {  	_ =	strace $0x90000047  }
0x123: {  	s0 =	stileid.u32;
	[bflag:$0x2] =	sbarrier.arrive $0xFFFF  }
0x124: {  	p0 =	sne.s32 s0, $0x0;
	s0 =	rddreg [dreg:$0x5]  }
0x125: {  	s0 =	sadd.s32 @!p0 $0x100000, s0  }
0x126: {  	[sflag:s0] =	ssyncadd.tile.s32 @!p0 $0x1;
	_ =	shalt  }
.Lfunc_end2:
_tile_overlayer_lowered:
.L_overlay_start_2:
0x127: {  	(tag) =	ssettag $0x2  }
0x128: {  	s0 =	rddreg [dreg:$0x0];
	s2 =	stileid.u32  }
0x129: {  	s1 =	rddreg [dreg:$0x1];
	p0 =	sne.s32 s2, $0x0  }
0x12a: {  	s3 =	rddreg [dreg:$0x2];
	[bflag:$0x3] =	sbarrier.arrive $0xFFFF;
	s2 =	simm.s32 @!p0 $0x1C03  }
0x12b: {  	[timem:s3], [sflag:s2] =	dma.local @!p0 [hbm:s0], s1  }
0x12c: {  	s0 =	simm.s32 @!p0 $0x3  }
0x12d: {  	_ =	swait.ge @!p0 [sflag:s0], s1  }
0x12e: {  	s1 =	ssub.s32 @!p0 $0x0, s1;
	[sflag:s0] =	ssyncset.done @!p0 $0x0  }
0x12f: {  	[sflag:s0] =	ssyncadd.s32 @!p0 s1  }
0x130: {  	[bflag:$0x3] =	sbarrier.arrive $0xFFFF  }
0x131: {  	_ =	shalt  }

</sc_bundles>
